<compile_context>
chip_gen: v7x
topology: tpu7x:2x2x1
jax: 0.10.2.dev20260603
libtpu: 0.0.44.dev20260713+nightly
codegen_flags: <defaults>
</compile_context>

<pallas_src>
import functools

import jax
import jax.numpy as jnp
from jax import lax
from jax.experimental import pallas as pl
from jax.experimental.pallas import tpu as pltpu
from jax.experimental.pallas import tpu_sc as plsc

_CHUNK = 128


@functools.partial(jax.jit, static_argnums=(3, 4, 5))
def _sc_scatter_add(e3, idx3, zeros, N, E, D):
    NC, NS = 2, 16
    DC = D // NC
    NCH = E // _CHUNK
    NB = NCH // NS
    XTRA = NCH - NB * NS
    RU = (N // 16 // NS) * 16
    REM = N - RU * NS
    mesh = plsc.VectorSubcoreMesh(core_axis_name="c", subcore_axis_name="s")

    @functools.partial(
        pl.kernel,
        mesh=mesh,
        out_type=jax.ShapeDtypeStruct((N, D), jnp.float32),
        scratch_types=[
            pltpu.VMEM((NB + 1, 1, _CHUNK), jnp.int32),
            pltpu.VMEM((_CHUNK, DC), jnp.float32),
            pltpu.VMEM((_CHUNK, DC), jnp.float32),
            pltpu.VMEM_SHARED((N, DC), jnp.float32),
            pltpu.SemaphoreType.DMA,
            pltpu.SemaphoreType.DMA,
            pltpu.SemaphoreType.DMA,
            pltpu.SemaphoreType.DMA,
        ],
    )
    def scatter(e_hbm, idx_hbm, z_hbm, out_hbm, idx_v, ebuf0, ebuf1, acc,
                sem0, sem1, sem2, sem3):
        c = lax.axis_index("c")
        s = lax.axis_index("s")
        col0 = c * DC
        base = s * NB + jnp.minimum(s, XTRA)
        rb = s * RU

        pltpu.sync_copy(z_hbm, ebuf0)
        for k in range(RU // _CHUNK):
            pltpu.sync_copy(ebuf0, acc.at[pl.ds(rb + k * _CHUNK, _CHUNK), :])
        r = RU % _CHUNK
        if r:
            pltpu.sync_copy(ebuf0.at[pl.ds(0, r), :],
                            acc.at[pl.ds(rb + RU - r, r), :])

        @pl.when(s == 0)
        def _():
            pltpu.sync_copy(ebuf0.at[pl.ds(0, REM), :],
                            acc.at[pl.ds(N - REM, REM), :])

        pltpu.sync_copy(idx_hbm.at[pl.ds(base, NB)], idx_v.at[pl.ds(0, NB)])

        @pl.when(s < XTRA)
        def _():
            pltpu.sync_copy(idx_hbm.at[pl.ds(base + NB, 1)],
                            idx_v.at[pl.ds(NB, 1)])

        def g_start(q, buf, sa, sb):
            pltpu.async_copy(e_hbm.at[q, pl.ds(0, 64), pl.ds(col0, DC)],
                             buf.at[pl.ds(0, 64), :], sa)
            pltpu.async_copy(e_hbm.at[q, pl.ds(64, 64), pl.ds(col0, DC)],
                             buf.at[pl.ds(64, 64), :], sb)

        def g_wait(q, buf, sa, sb):
            pltpu.make_async_copy(e_hbm.at[q, pl.ds(0, 64), pl.ds(col0, DC)],
                                  buf.at[pl.ds(0, 64), :], sa).wait()
            pltpu.make_async_copy(e_hbm.at[q, pl.ds(64, 64), pl.ds(col0, DC)],
                                  buf.at[pl.ds(64, 64), :], sb).wait()

        g_start(base, ebuf0, sem0, sem2)

        plsc.subcore_barrier()

        def body(jj, carry):
            q0 = base + jj * 2
            q1 = q0 + 1
            g_wait(q0, ebuf0, sem0, sem2)
            g_start(q1, ebuf1, sem1, sem3)
            pltpu.sync_copy(ebuf0, acc.at[idx_v.at[jj * 2, 0]], add=True)
            qn = base + (jj * 2 + 2) % NB
            g_wait(q1, ebuf1, sem1, sem3)
            g_start(qn, ebuf0, sem0, sem2)
            pltpu.sync_copy(ebuf1, acc.at[idx_v.at[jj * 2 + 1, 0]], add=True)
            return carry

        lax.fori_loop(0, NB // 2, body, 0)

        g_wait(base, ebuf0, sem0, sem2)

        @pl.when(s < XTRA)
        def _():
            pltpu.sync_copy(e_hbm.at[base + NB, :, pl.ds(col0, DC)], ebuf0)
            pltpu.sync_copy(ebuf0, acc.at[idx_v.at[NB, 0]], add=True)

        plsc.subcore_barrier()

        pltpu.sync_copy(acc.at[pl.ds(rb, RU), :],
                        out_hbm.at[pl.ds(rb, RU), pl.ds(col0, DC)])

        @pl.when(s == 0)
        def _():
            pltpu.sync_copy(acc.at[pl.ds(N - REM, REM), :],
                            out_hbm.at[pl.ds(N - REM, REM), pl.ds(col0, DC)])

    return scatter(e3, idx3, zeros)


def _mlp(acc, v, W1, b1, W2, b2):
    n, d = v.shape
    br = 2000
    dn = (((1,), (1,)), ((), ()))

    def body(acc_ref, v_ref, w1_ref, b1_ref, w2_ref, b2_ref, out_ref):
        x = acc_ref[...]
        h = lax.dot_general(x, w1_ref[...], dn, preferred_element_type=jnp.float32)
        h = h + b1_ref[...]
        h = jnp.where(h >= 0, h, h * 0.015)
        y = lax.dot_general(h, w2_ref[...], dn, preferred_element_type=jnp.float32)
        out_ref[...] = y + b2_ref[...] + v_ref[...]

    return pl.pallas_call(
        body,
        grid=(n // br,),
        in_specs=[
            pl.BlockSpec((br, d), lambda i: (i, 0)),
            pl.BlockSpec((br, d), lambda i: (i, 0)),
            pl.BlockSpec((d, d), lambda i: (0, 0)),
            pl.BlockSpec((1, d), lambda i: (0, 0)),
            pl.BlockSpec((d, d), lambda i: (0, 0)),
            pl.BlockSpec((1, d), lambda i: (0, 0)),
        ],
        out_specs=pl.BlockSpec((br, d), lambda i: (i, 0)),
        out_shape=jax.ShapeDtypeStruct((n, d), jnp.float32),
    )(acc, v, W1, b1.reshape(1, d), W2, b2.reshape(1, d))


def kernel(v, e, edge_index, W1, b1, W2, b2):
    n, d = v.shape
    ne = e.shape[0]
    e3 = e.reshape(ne // _CHUNK, _CHUNK, d)
    idx3 = edge_index[1].reshape(ne // _CHUNK, 1, _CHUNK)
    zeros = jnp.zeros((_CHUNK, d // 2), jnp.float32)
    acc = _sc_scatter_add(e3, idx3, zeros, n, ne, d)
    return _mlp(acc, v, W1, b1, W2, b2)

# --- scband reference (transcript-rebuilt; emitter-appended) ---
"""Pipeline reference for scband-update-v-11089605559053 (READ-ONLY COPY).

The authoritative reference and input builder live on the scoring server;
editing this copy changes nothing except your own understanding.
"""

import jax, jax.numpy as jnp
import numpy as np

N = 10000
E = 160000
D = 256

def _leaky_relu(x, slope=0.015):
    return jnp.where(x >= 0, x, slope * x)

def setup_inputs(seed: int = 0) -> dict:
    key = jax.random.key(seed)
    k1, k2, k3, k4, k5 = jax.random.split(key, 5)
    v = jax.random.normal(k1, (N, D), dtype=jnp.float32)
    e = jax.random.normal(k2, (E, D), dtype=jnp.float32)
    edge_index = jax.random.randint(k3, (2, E), 0, N, dtype=jnp.int32)
    # xavier_uniform for Linear(D, D): limit = sqrt(6 / (fan_in + fan_out))
    limit = float(np.sqrt(6.0 / (D + D)))
    W1 = jax.random.uniform(k4, (D, D), minval=-limit, maxval=limit, dtype=jnp.float32)
    b1 = jnp.zeros((D,), dtype=jnp.float32)
    W2 = jax.random.uniform(k5, (D, D), minval=-limit, maxval=limit, dtype=jnp.float32)
    b2 = jnp.zeros((D,), dtype=jnp.float32)
    return {"v": v, "e": e, "edge_index": edge_index, "W1": W1, "b1": b1, "W2": W2, "b2": b2}

def reference(v, e, edge_index, W1, b1, W2, b2):
    i = edge_index[1]
    # scatter-add messages e into per-node accumulator indexed by dst node i
    out = jnp.zeros_like(v).at[i].add(e)
    out = out @ W1.T + b1
    out = _leaky_relu(out, 0.015)
    out = out @ W2.T + b2
    return v + out

if __name__ == "__main__":
    import jax
    _d = setup_inputs()
    print(jax.jit(kernel)(*tuple(_d.values())))

</pallas_src>

<mosaic_0001>
#map = affine_map<(d0, d1) -> (0, 0, 0)>
#map1 = affine_map<(d0, d1) -> (0, 0)>
module attributes {stable_mosaic.version = 14 : i64} {
  func.func @scatter(%arg0: i32, %arg1: i32, %arg2: memref<1250x128x256xf32, #tpu.memory_space<hbm>>, %arg3: memref<1250x1x128xi32, #tpu.memory_space<hbm>>, %arg4: memref<128x128xf32, #tpu.memory_space<hbm>>, %arg5: memref<10000x256xf32, #tpu.memory_space<hbm>>, %arg6: memref<79x1x128xi32, #tpu.memory_space<vmem>>, %arg7: memref<128x128xf32, #tpu.memory_space<vmem>>, %arg8: memref<128x128xf32, #tpu.memory_space<vmem>>, %arg9: memref<10000x128xf32, #tpu.memory_space<vmem_shared>>, %arg10: memref<!tpu.dma_semaphore, #tpu.memory_space<semaphore_mem>>, %arg11: memref<!tpu.dma_semaphore, #tpu.memory_space<semaphore_mem>>, %arg12: memref<!tpu.dma_semaphore, #tpu.memory_space<semaphore_mem>>, %arg13: memref<!tpu.dma_semaphore, #tpu.memory_space<semaphore_mem>>) attributes {dimension_semantics = [#tpu.dimension_semantics<core_parallel>, #tpu.dimension_semantics<subcore_parallel>], iteration_bounds = array<i64: 2, 16>, scalar_prefetch = 0 : i64, scratch_operands = 8 : i64, tpu.core_type = #tpu.core_type<sc_vector_subcore>, window_params = [{transform_indices = #map}, {transform_indices = #map}, {transform_indices = #map1}, {transform_indices = #map1}]} {
    %mul3A = arith.constant 128 : i32
    %mul3A_0 = arith.muli %arg0, %mul3A : i32
    %mul3A_1 = arith.constant 78 : i32
    %mul3A_2 = arith.muli %arg1, %mul3A_1 : i32
    %min3A = arith.constant 2 : i32
    %min3A_3 = arith.minsi %arg1, %min3A : i32
    %add3A = arith.addi %mul3A_2, %min3A_3 : i32
    %mul3A_4 = arith.constant 624 : i32
    %mul3A_5 = arith.muli %arg1, %mul3A_4 : i32
    "tpu.region"() ({
      %run_scoped3A = tpu.sem_alloc : memref<!tpu.dma_semaphore, #tpu.memory_space<semaphore_mem>>
      tpu.enqueue_dma source(%arg4 : memref<128x128xf32, #tpu.memory_space<hbm>>) target(%arg7 : memref<128x128xf32, #tpu.memory_space<vmem>>) target_semaphore(%run_scoped3A : memref<!tpu.dma_semaphore, #tpu.memory_space<semaphore_mem>>)
      tpu.wait_dma2 semaphore(%run_scoped3A : memref<!tpu.dma_semaphore, #tpu.memory_space<semaphore_mem>>) src(%arg4 : memref<128x128xf32, #tpu.memory_space<hbm>>) dst(%arg7 : memref<128x128xf32, #tpu.memory_space<vmem>>)
      tpu.yield
    }) : () -> ()
    %add3A_6 = arith.constant 0 : i32
    %add3A_7 = arith.addi %mul3A_5, %add3A_6 : i32
    "tpu.region"() ({
      %run_scoped3A = tpu.sem_alloc : memref<!tpu.dma_semaphore, #tpu.memory_space<semaphore_mem>>
      %dma_start3A_85 = arith.constant 0 : i32
      %dma_start3A_86 = tpu.memref_slice %arg9[%add3A_7, %dma_start3A_85] : memref<10000x128xf32, #tpu.memory_space<vmem_shared>> -> memref<128x128xf32, #tpu.memory_space<vmem_shared>>
      %dma_start3A_87 = arith.constant 0 : i32
      %dma_start3A_88 = tpu.memref_slice %arg9[%add3A_7, %dma_start3A_87] : memref<10000x128xf32, #tpu.memory_space<vmem_shared>> -> memref<128x128xf32, #tpu.memory_space<vmem_shared>>
      tpu.enqueue_dma source(%arg7 : memref<128x128xf32, #tpu.memory_space<vmem>>) target(%dma_start3A_88 : memref<128x128xf32, #tpu.memory_space<vmem_shared>>) target_semaphore(%run_scoped3A : memref<!tpu.dma_semaphore, #tpu.memory_space<semaphore_mem>>)
      %dma_wait3A_89 = arith.constant 0 : i32
      %dma_wait3A_90 = tpu.memref_slice %arg9[%add3A_7, %dma_wait3A_89] : memref<10000x128xf32, #tpu.memory_space<vmem_shared>> -> memref<128x128xf32, #tpu.memory_space<vmem_shared>>
      %dma_wait3A_91 = arith.constant 0 : i32
      %dma_wait3A_92 = tpu.memref_slice %arg9[%add3A_7, %dma_wait3A_91] : memref<10000x128xf32, #tpu.memory_space<vmem_shared>> -> memref<128x128xf32, #tpu.memory_space<vmem_shared>>
      tpu.wait_dma2 semaphore(%run_scoped3A : memref<!tpu.dma_semaphore, #tpu.memory_space<semaphore_mem>>) src(%arg7 : memref<128x128xf32, #tpu.memory_space<vmem>>) dst(%dma_wait3A_92 : memref<128x128xf32, #tpu.memory_space<vmem_shared>>)
      tpu.yield
    }) : () -> ()
    %add3A_8 = arith.constant 128 : i32
    %add3A_9 = arith.addi %mul3A_5, %add3A_8 : i32
    "tpu.region"() ({
      %run_scoped3A = tpu.sem_alloc : memref<!tpu.dma_semaphore, #tpu.memory_space<semaphore_mem>>
      %dma_start3A_85 = arith.constant 0 : i32
      %dma_start3A_86 = tpu.memref_slice %arg9[%add3A_9, %dma_start3A_85] : memref<10000x128xf32, #tpu.memory_space<vmem_shared>> -> memref<128x128xf32, #tpu.memory_space<vmem_shared>>
      %dma_start3A_87 = arith.constant 0 : i32
      %dma_start3A_88 = tpu.memref_slice %arg9[%add3A_9, %dma_start3A_87] : memref<10000x128xf32, #tpu.memory_space<vmem_shared>> -> memref<128x128xf32, #tpu.memory_space<vmem_shared>>
      tpu.enqueue_dma source(%arg7 : memref<128x128xf32, #tpu.memory_space<vmem>>) target(%dma_start3A_88 : memref<128x128xf32, #tpu.memory_space<vmem_shared>>) target_semaphore(%run_scoped3A : memref<!tpu.dma_semaphore, #tpu.memory_space<semaphore_mem>>)
      %dma_wait3A_89 = arith.constant 0 : i32
      %dma_wait3A_90 = tpu.memref_slice %arg9[%add3A_9, %dma_wait3A_89] : memref<10000x128xf32, #tpu.memory_space<vmem_shared>> -> memref<128x128xf32, #tpu.memory_space<vmem_shared>>
      %dma_wait3A_91 = arith.constant 0 : i32
      %dma_wait3A_92 = tpu.memref_slice %arg9[%add3A_9, %dma_wait3A_91] : memref<10000x128xf32, #tpu.memory_space<vmem_shared>> -> memref<128x128xf32, #tpu.memory_space<vmem_shared>>
      tpu.wait_dma2 semaphore(%run_scoped3A : memref<!tpu.dma_semaphore, #tpu.memory_space<semaphore_mem>>) src(%arg7 : memref<128x128xf32, #tpu.memory_space<vmem>>) dst(%dma_wait3A_92 : memref<128x128xf32, #tpu.memory_space<vmem_shared>>)
      tpu.yield
    }) : () -> ()
    %add3A_10 = arith.constant 256 : i32
    %add3A_11 = arith.addi %mul3A_5, %add3A_10 : i32
    "tpu.region"() ({
      %run_scoped3A = tpu.sem_alloc : memref<!tpu.dma_semaphore, #tpu.memory_space<semaphore_mem>>
      %dma_start3A_85 = arith.constant 0 : i32
      %dma_start3A_86 = tpu.memref_slice %arg9[%add3A_11, %dma_start3A_85] : memref<10000x128xf32, #tpu.memory_space<vmem_shared>> -> memref<128x128xf32, #tpu.memory_space<vmem_shared>>
      %dma_start3A_87 = arith.constant 0 : i32
      %dma_start3A_88 = tpu.memref_slice %arg9[%add3A_11, %dma_start3A_87] : memref<10000x128xf32, #tpu.memory_space<vmem_shared>> -> memref<128x128xf32, #tpu.memory_space<vmem_shared>>
      tpu.enqueue_dma source(%arg7 : memref<128x128xf32, #tpu.memory_space<vmem>>) target(%dma_start3A_88 : memref<128x128xf32, #tpu.memory_space<vmem_shared>>) target_semaphore(%run_scoped3A : memref<!tpu.dma_semaphore, #tpu.memory_space<semaphore_mem>>)
      %dma_wait3A_89 = arith.constant 0 : i32
      %dma_wait3A_90 = tpu.memref_slice %arg9[%add3A_11, %dma_wait3A_89] : memref<10000x128xf32, #tpu.memory_space<vmem_shared>> -> memref<128x128xf32, #tpu.memory_space<vmem_shared>>
      %dma_wait3A_91 = arith.constant 0 : i32
      %dma_wait3A_92 = tpu.memref_slice %arg9[%add3A_11, %dma_wait3A_91] : memref<10000x128xf32, #tpu.memory_space<vmem_shared>> -> memref<128x128xf32, #tpu.memory_space<vmem_shared>>
      tpu.wait_dma2 semaphore(%run_scoped3A : memref<!tpu.dma_semaphore, #tpu.memory_space<semaphore_mem>>) src(%arg7 : memref<128x128xf32, #tpu.memory_space<vmem>>) dst(%dma_wait3A_92 : memref<128x128xf32, #tpu.memory_space<vmem_shared>>)
      tpu.yield
    }) : () -> ()
    %add3A_12 = arith.constant 384 : i32
    %add3A_13 = arith.addi %mul3A_5, %add3A_12 : i32
    "tpu.region"() ({
      %run_scoped3A = tpu.sem_alloc : memref<!tpu.dma_semaphore, #tpu.memory_space<semaphore_mem>>
      %dma_start3A_85 = arith.constant 0 : i32
      %dma_start3A_86 = tpu.memref_slice %arg9[%add3A_13, %dma_start3A_85] : memref<10000x128xf32, #tpu.memory_space<vmem_shared>> -> memref<128x128xf32, #tpu.memory_space<vmem_shared>>
      %dma_start3A_87 = arith.constant 0 : i32
      %dma_start3A_88 = tpu.memref_slice %arg9[%add3A_13, %dma_start3A_87] : memref<10000x128xf32, #tpu.memory_space<vmem_shared>> -> memref<128x128xf32, #tpu.memory_space<vmem_shared>>
      tpu.enqueue_dma source(%arg7 : memref<128x128xf32, #tpu.memory_space<vmem>>) target(%dma_start3A_88 : memref<128x128xf32, #tpu.memory_space<vmem_shared>>) target_semaphore(%run_scoped3A : memref<!tpu.dma_semaphore, #tpu.memory_space<semaphore_mem>>)
      %dma_wait3A_89 = arith.constant 0 : i32
      %dma_wait3A_90 = tpu.memref_slice %arg9[%add3A_13, %dma_wait3A_89] : memref<10000x128xf32, #tpu.memory_space<vmem_shared>> -> memref<128x128xf32, #tpu.memory_space<vmem_shared>>
      %dma_wait3A_91 = arith.constant 0 : i32
      %dma_wait3A_92 = tpu.memref_slice %arg9[%add3A_13, %dma_wait3A_91] : memref<10000x128xf32, #tpu.memory_space<vmem_shared>> -> memref<128x128xf32, #tpu.memory_space<vmem_shared>>
      tpu.wait_dma2 semaphore(%run_scoped3A : memref<!tpu.dma_semaphore, #tpu.memory_space<semaphore_mem>>) src(%arg7 : memref<128x128xf32, #tpu.memory_space<vmem>>) dst(%dma_wait3A_92 : memref<128x128xf32, #tpu.memory_space<vmem_shared>>)
      tpu.yield
    }) : () -> ()
    %add3A_14 = arith.constant 624 : i32
    %add3A_15 = arith.addi %mul3A_5, %add3A_14 : i32
    %sub3A = arith.constant 112 : i32
    %sub3A_16 = arith.subi %add3A_15, %sub3A : i32
    "tpu.region"() ({
      %run_scoped3A = tpu.sem_alloc : memref<!tpu.dma_semaphore, #tpu.memory_space<semaphore_mem>>
      %dma_start3A_85 = arith.constant 0 : i32
      %dma_start3A_86 = arith.constant 0 : i32
      %dma_start3A_87 = tpu.memref_slice %arg7[%dma_start3A_85, %dma_start3A_86] : memref<128x128xf32, #tpu.memory_space<vmem>> -> memref<112x128xf32, #tpu.memory_space<vmem>>
      %dma_start3A_88 = arith.constant 0 : i32
      %dma_start3A_89 = tpu.memref_slice %arg9[%sub3A_16, %dma_start3A_88] : memref<10000x128xf32, #tpu.memory_space<vmem_shared>> -> memref<112x128xf32, #tpu.memory_space<vmem_shared>>
      %dma_start3A_90 = arith.constant 0 : i32
      %dma_start3A_91 = tpu.memref_slice %arg9[%sub3A_16, %dma_start3A_90] : memref<10000x128xf32, #tpu.memory_space<vmem_shared>> -> memref<112x128xf32, #tpu.memory_space<vmem_shared>>
      %dma_start3A_92 = arith.constant 0 : i32
      %dma_start3A_93 = arith.constant 0 : i32
      %dma_start3A_94 = tpu.memref_slice %arg7[%dma_start3A_92, %dma_start3A_93] : memref<128x128xf32, #tpu.memory_space<vmem>> -> memref<112x128xf32, #tpu.memory_space<vmem>>
      tpu.enqueue_dma source(%dma_start3A_94 : memref<112x128xf32, #tpu.memory_space<vmem>>) target(%dma_start3A_91 : memref<112x128xf32, #tpu.memory_space<vmem_shared>>) target_semaphore(%run_scoped3A : memref<!tpu.dma_semaphore, #tpu.memory_space<semaphore_mem>>)
      %dma_wait3A_95 = arith.constant 0 : i32
      %dma_wait3A_96 = arith.constant 0 : i32
      %dma_wait3A_97 = tpu.memref_slice %arg7[%dma_wait3A_95, %dma_wait3A_96] : memref<128x128xf32, #tpu.memory_space<vmem>> -> memref<112x128xf32, #tpu.memory_space<vmem>>
      %dma_wait3A_98 = arith.constant 0 : i32
      %dma_wait3A_99 = tpu.memref_slice %arg9[%sub3A_16, %dma_wait3A_98] : memref<10000x128xf32, #tpu.memory_space<vmem_shared>> -> memref<112x128xf32, #tpu.memory_space<vmem_shared>>
      %dma_wait3A_100 = arith.constant 0 : i32
      %dma_wait3A_101 = tpu.memref_slice %arg9[%sub3A_16, %dma_wait3A_100] : memref<10000x128xf32, #tpu.memory_space<vmem_shared>> -> memref<112x128xf32, #tpu.memory_space<vmem_shared>>
      %dma_wait3A_102 = arith.constant 0 : i32
      %dma_wait3A_103 = arith.constant 0 : i32
      %dma_wait3A_104 = tpu.memref_slice %arg7[%dma_wait3A_102, %dma_wait3A_103] : memref<128x128xf32, #tpu.memory_space<vmem>> -> memref<112x128xf32, #tpu.memory_space<vmem>>
      tpu.wait_dma2 semaphore(%run_scoped3A : memref<!tpu.dma_semaphore, #tpu.memory_space<semaphore_mem>>) src(%dma_wait3A_104 : memref<112x128xf32, #tpu.memory_space<vmem>>) dst(%dma_wait3A_101 : memref<112x128xf32, #tpu.memory_space<vmem_shared>>)
      tpu.yield
    }) : () -> ()
    %eq3A = arith.constant 0 : i32
    %eq3A_17 = arith.cmpi eq, %arg1, %eq3A : i32
    %convert_element_type3A = arith.extui %eq3A_17 : i1 to i32
    %cond3A = arith.constant 0 : i32
    %cond3A_18 = arith.cmpi ne, %convert_element_type3A, %cond3A : i32
    scf.if %cond3A_18 {
      "tpu.region"() ({
        %run_scoped3A = tpu.sem_alloc : memref<!tpu.dma_semaphore, #tpu.memory_space<semaphore_mem>>
        %dma_start3A_85 = arith.constant 0 : i32
        %dma_start3A_86 = arith.constant 0 : i32
        %dma_start3A_87 = tpu.memref_slice %arg7[%dma_start3A_85, %dma_start3A_86] : memref<128x128xf32, #tpu.memory_space<vmem>> -> memref<16x128xf32, #tpu.memory_space<vmem>>
        %dma_start3A_88 = arith.constant 9984 : i32
        %dma_start3A_89 = arith.constant 0 : i32
        %dma_start3A_90 = tpu.memref_slice %arg9[%dma_start3A_88, %dma_start3A_89] : memref<10000x128xf32, #tpu.memory_space<vmem_shared>> -> memref<16x128xf32, #tpu.memory_space<vmem_shared>>
        %dma_start3A_91 = arith.constant 9984 : i32
        %dma_start3A_92 = arith.constant 0 : i32
        %dma_start3A_93 = tpu.memref_slice %arg9[%dma_start3A_91, %dma_start3A_92] : memref<10000x128xf32, #tpu.memory_space<vmem_shared>> -> memref<16x128xf32, #tpu.memory_space<vmem_shared>>
        %dma_start3A_94 = arith.constant 0 : i32
        %dma_start3A_95 = arith.constant 0 : i32
        %dma_start3A_96 = tpu.memref_slice %arg7[%dma_start3A_94, %dma_start3A_95] : memref<128x128xf32, #tpu.memory_space<vmem>> -> memref<16x128xf32, #tpu.memory_space<vmem>>
        tpu.enqueue_dma source(%dma_start3A_96 : memref<16x128xf32, #tpu.memory_space<vmem>>) target(%dma_start3A_93 : memref<16x128xf32, #tpu.memory_space<vmem_shared>>) target_semaphore(%run_scoped3A : memref<!tpu.dma_semaphore, #tpu.memory_space<semaphore_mem>>)
        %dma_wait3A_97 = arith.constant 0 : i32
        %dma_wait3A_98 = arith.constant 0 : i32
        %dma_wait3A_99 = tpu.memref_slice %arg7[%dma_wait3A_97, %dma_wait3A_98] : memref<128x128xf32, #tpu.memory_space<vmem>> -> memref<16x128xf32, #tpu.memory_space<vmem>>
        %dma_wait3A_100 = arith.constant 9984 : i32
        %dma_wait3A_101 = arith.constant 0 : i32
        %dma_wait3A_102 = tpu.memref_slice %arg9[%dma_wait3A_100, %dma_wait3A_101] : memref<10000x128xf32, #tpu.memory_space<vmem_shared>> -> memref<16x128xf32, #tpu.memory_space<vmem_shared>>
        %dma_wait3A_103 = arith.constant 9984 : i32
        %dma_wait3A_104 = arith.constant 0 : i32
        %dma_wait3A_105 = tpu.memref_slice %arg9[%dma_wait3A_103, %dma_wait3A_104] : memref<10000x128xf32, #tpu.memory_space<vmem_shared>> -> memref<16x128xf32, #tpu.memory_space<vmem_shared>>
        %dma_wait3A_106 = arith.constant 0 : i32
        %dma_wait3A_107 = arith.constant 0 : i32
        %dma_wait3A_108 = tpu.memref_slice %arg7[%dma_wait3A_106, %dma_wait3A_107] : memref<128x128xf32, #tpu.memory_space<vmem>> -> memref<16x128xf32, #tpu.memory_space<vmem>>
        tpu.wait_dma2 semaphore(%run_scoped3A : memref<!tpu.dma_semaphore, #tpu.memory_space<semaphore_mem>>) src(%dma_wait3A_108 : memref<16x128xf32, #tpu.memory_space<vmem>>) dst(%dma_wait3A_105 : memref<16x128xf32, #tpu.memory_space<vmem_shared>>)
        tpu.yield
      }) : () -> ()
    } else {
    }
    "tpu.region"() ({
      %run_scoped3A = tpu.sem_alloc : memref<!tpu.dma_semaphore, #tpu.memory_space<semaphore_mem>>
      %dma_start3A_85 = arith.constant 0 : i32
      %dma_start3A_86 = arith.constant 0 : i32
      %dma_start3A_87 = arith.constant 0 : i32
      %dma_start3A_88 = tpu.memref_slice %arg6[%dma_start3A_85, %dma_start3A_86, %dma_start3A_87] : memref<79x1x128xi32, #tpu.memory_space<vmem>> -> memref<78x1x128xi32, #tpu.memory_space<vmem>>
      %dma_start3A_89 = arith.constant 0 : i32
      %dma_start3A_90 = arith.constant 0 : i32
      %dma_start3A_91 = tpu.memref_slice %arg3[%add3A, %dma_start3A_89, %dma_start3A_90] : memref<1250x1x128xi32, #tpu.memory_space<hbm>> -> memref<78x1x128xi32, #tpu.memory_space<hbm>>
      %dma_start3A_92 = arith.constant 0 : i32
      %dma_start3A_93 = arith.constant 0 : i32
      %dma_start3A_94 = arith.constant 0 : i32
      %dma_start3A_95 = tpu.memref_slice %arg6[%dma_start3A_92, %dma_start3A_93, %dma_start3A_94] : memref<79x1x128xi32, #tpu.memory_space<vmem>> -> memref<78x1x128xi32, #tpu.memory_space<vmem>>
      %dma_start3A_96 = arith.constant 0 : i32
      %dma_start3A_97 = arith.constant 0 : i32
      %dma_start3A_98 = tpu.memref_slice %arg3[%add3A, %dma_start3A_96, %dma_start3A_97] : memref<1250x1x128xi32, #tpu.memory_space<hbm>> -> memref<78x1x128xi32, #tpu.memory_space<hbm>>
      tpu.enqueue_dma source(%dma_start3A_98 : memref<78x1x128xi32, #tpu.memory_space<hbm>>) target(%dma_start3A_95 : memref<78x1x128xi32, #tpu.memory_space<vmem>>) target_semaphore(%run_scoped3A : memref<!tpu.dma_semaphore, #tpu.memory_space<semaphore_mem>>)
      %dma_wait3A_99 = arith.constant 0 : i32
      %dma_wait3A_100 = arith.constant 0 : i32
      %dma_wait3A_101 = arith.constant 0 : i32
      %dma_wait3A_102 = tpu.memref_slice %arg6[%dma_wait3A_99, %dma_wait3A_100, %dma_wait3A_101] : memref<79x1x128xi32, #tpu.memory_space<vmem>> -> memref<78x1x128xi32, #tpu.memory_space<vmem>>
      %dma_wait3A_103 = arith.constant 0 : i32
      %dma_wait3A_104 = arith.constant 0 : i32
      %dma_wait3A_105 = tpu.memref_slice %arg3[%add3A, %dma_wait3A_103, %dma_wait3A_104] : memref<1250x1x128xi32, #tpu.memory_space<hbm>> -> memref<78x1x128xi32, #tpu.memory_space<hbm>>
      %dma_wait3A_106 = arith.constant 0 : i32
      %dma_wait3A_107 = arith.constant 0 : i32
      %dma_wait3A_108 = arith.constant 0 : i32
      %dma_wait3A_109 = tpu.memref_slice %arg6[%dma_wait3A_106, %dma_wait3A_107, %dma_wait3A_108] : memref<79x1x128xi32, #tpu.memory_space<vmem>> -> memref<78x1x128xi32, #tpu.memory_space<vmem>>
      %dma_wait3A_110 = arith.constant 0 : i32
      %dma_wait3A_111 = arith.constant 0 : i32
      %dma_wait3A_112 = tpu.memref_slice %arg3[%add3A, %dma_wait3A_110, %dma_wait3A_111] : memref<1250x1x128xi32, #tpu.memory_space<hbm>> -> memref<78x1x128xi32, #tpu.memory_space<hbm>>
      tpu.wait_dma2 semaphore(%run_scoped3A : memref<!tpu.dma_semaphore, #tpu.memory_space<semaphore_mem>>) src(%dma_wait3A_112 : memref<78x1x128xi32, #tpu.memory_space<hbm>>) dst(%dma_wait3A_109 : memref<78x1x128xi32, #tpu.memory_space<vmem>>)
      tpu.yield
    }) : () -> ()
    %lt3A = arith.constant 2 : i32
    %lt3A_19 = arith.cmpi slt, %arg1, %lt3A : i32
    %convert_element_type3A_20 = arith.extui %lt3A_19 : i1 to i32
    %cond3A_21 = arith.constant 0 : i32
    %cond3A_22 = arith.cmpi ne, %convert_element_type3A_20, %cond3A_21 : i32
    scf.if %cond3A_22 {
      %add3A_85 = arith.constant 78 : i32
      %add3A_86 = arith.addi %add3A, %add3A_85 : i32
      "tpu.region"() ({
        %run_scoped3A = tpu.sem_alloc : memref<!tpu.dma_semaphore, #tpu.memory_space<semaphore_mem>>
        %dma_start3A_87 = arith.constant 78 : i32
        %dma_start3A_88 = arith.constant 0 : i32
        %dma_start3A_89 = arith.constant 0 : i32
        %dma_start3A_90 = tpu.memref_slice %arg6[%dma_start3A_87, %dma_start3A_88, %dma_start3A_89] : memref<79x1x128xi32, #tpu.memory_space<vmem>> -> memref<1x1x128xi32, #tpu.memory_space<vmem>>
        %dma_start3A_91 = arith.constant 0 : i32
        %dma_start3A_92 = arith.constant 0 : i32
        %dma_start3A_93 = tpu.memref_slice %arg3[%add3A_86, %dma_start3A_91, %dma_start3A_92] : memref<1250x1x128xi32, #tpu.memory_space<hbm>> -> memref<1x1x128xi32, #tpu.memory_space<hbm>>
        %dma_start3A_94 = arith.constant 78 : i32
        %dma_start3A_95 = arith.constant 0 : i32
        %dma_start3A_96 = arith.constant 0 : i32
        %dma_start3A_97 = tpu.memref_slice %arg6[%dma_start3A_94, %dma_start3A_95, %dma_start3A_96] : memref<79x1x128xi32, #tpu.memory_space<vmem>> -> memref<1x1x128xi32, #tpu.memory_space<vmem>>
        %dma_start3A_98 = arith.constant 0 : i32
        %dma_start3A_99 = arith.constant 0 : i32
        %dma_start3A_100 = tpu.memref_slice %arg3[%add3A_86, %dma_start3A_98, %dma_start3A_99] : memref<1250x1x128xi32, #tpu.memory_space<hbm>> -> memref<1x1x128xi32, #tpu.memory_space<hbm>>
        tpu.enqueue_dma source(%dma_start3A_100 : memref<1x1x128xi32, #tpu.memory_space<hbm>>) target(%dma_start3A_97 : memref<1x1x128xi32, #tpu.memory_space<vmem>>) target_semaphore(%run_scoped3A : memref<!tpu.dma_semaphore, #tpu.memory_space<semaphore_mem>>)
        %dma_wait3A_101 = arith.constant 78 : i32
        %dma_wait3A_102 = arith.constant 0 : i32
        %dma_wait3A_103 = arith.constant 0 : i32
        %dma_wait3A_104 = tpu.memref_slice %arg6[%dma_wait3A_101, %dma_wait3A_102, %dma_wait3A_103] : memref<79x1x128xi32, #tpu.memory_space<vmem>> -> memref<1x1x128xi32, #tpu.memory_space<vmem>>
        %dma_wait3A_105 = arith.constant 0 : i32
        %dma_wait3A_106 = arith.constant 0 : i32
        %dma_wait3A_107 = tpu.memref_slice %arg3[%add3A_86, %dma_wait3A_105, %dma_wait3A_106] : memref<1250x1x128xi32, #tpu.memory_space<hbm>> -> memref<1x1x128xi32, #tpu.memory_space<hbm>>
        %dma_wait3A_108 = arith.constant 78 : i32
        %dma_wait3A_109 = arith.constant 0 : i32
        %dma_wait3A_110 = arith.constant 0 : i32
        %dma_wait3A_111 = tpu.memref_slice %arg6[%dma_wait3A_108, %dma_wait3A_109, %dma_wait3A_110] : memref<79x1x128xi32, #tpu.memory_space<vmem>> -> memref<1x1x128xi32, #tpu.memory_space<vmem>>
        %dma_wait3A_112 = arith.constant 0 : i32
        %dma_wait3A_113 = arith.constant 0 : i32
        %dma_wait3A_114 = tpu.memref_slice %arg3[%add3A_86, %dma_wait3A_112, %dma_wait3A_113] : memref<1250x1x128xi32, #tpu.memory_space<hbm>> -> memref<1x1x128xi32, #tpu.memory_space<hbm>>
        tpu.wait_dma2 semaphore(%run_scoped3A : memref<!tpu.dma_semaphore, #tpu.memory_space<semaphore_mem>>) src(%dma_wait3A_114 : memref<1x1x128xi32, #tpu.memory_space<hbm>>) dst(%dma_wait3A_111 : memref<1x1x128xi32, #tpu.memory_space<vmem>>)
        tpu.yield
      }) : () -> ()
    } else {
    }
    %dma_start3A = arith.constant 0 : i32
    %dma_start3A_23 = arith.constant 0 : i32
    %dma_start3A_24 = tpu.memref_slice %arg7[%dma_start3A, %dma_start3A_23] : memref<128x128xf32, #tpu.memory_space<vmem>> -> memref<64x128xf32, #tpu.memory_space<vmem>>
    %dma_start3A_25 = arith.constant 0 : i32
    %dma_start3A_26 = tpu.memref_slice %arg2[%add3A, %dma_start3A_25, %mul3A_0] : memref<1250x128x256xf32, #tpu.memory_space<hbm>> -> memref<1x64x128xf32, #tpu.memory_space<hbm>>
    %dma_start3A_27 = tpu.memref_squeeze %dma_start3A_26 : memref<1x64x128xf32, #tpu.memory_space<hbm>> -> memref<64x128xf32, #tpu.memory_space<hbm>>
    %dma_start3A_28 = arith.constant 0 : i32
    %dma_start3A_29 = arith.constant 0 : i32
    %dma_start3A_30 = tpu.memref_slice %arg7[%dma_start3A_28, %dma_start3A_29] : memref<128x128xf32, #tpu.memory_space<vmem>> -> memref<64x128xf32, #tpu.memory_space<vmem>>
    %dma_start3A_31 = arith.constant 0 : i32
    %dma_start3A_32 = tpu.memref_slice %arg2[%add3A, %dma_start3A_31, %mul3A_0] : memref<1250x128x256xf32, #tpu.memory_space<hbm>> -> memref<1x64x128xf32, #tpu.memory_space<hbm>>
    %dma_start3A_33 = tpu.memref_squeeze %dma_start3A_32 : memref<1x64x128xf32, #tpu.memory_space<hbm>> -> memref<64x128xf32, #tpu.memory_space<hbm>>
    tpu.enqueue_dma source(%dma_start3A_33 : memref<64x128xf32, #tpu.memory_space<hbm>>) target(%dma_start3A_30 : memref<64x128xf32, #tpu.memory_space<vmem>>) target_semaphore(%arg10 : memref<!tpu.dma_semaphore, #tpu.memory_space<semaphore_mem>>)
    %dma_start3A_34 = arith.constant 64 : i32
    %dma_start3A_35 = arith.constant 0 : i32
    %dma_start3A_36 = tpu.memref_slice %arg7[%dma_start3A_34, %dma_start3A_35] : memref<128x128xf32, #tpu.memory_space<vmem>> -> memref<64x128xf32, #tpu.memory_space<vmem>>
    %dma_start3A_37 = arith.constant 64 : i32
    %dma_start3A_38 = tpu.memref_slice %arg2[%add3A, %dma_start3A_37, %mul3A_0] : memref<1250x128x256xf32, #tpu.memory_space<hbm>> -> memref<1x64x128xf32, #tpu.memory_space<hbm>>
    %dma_start3A_39 = tpu.memref_squeeze %dma_start3A_38 : memref<1x64x128xf32, #tpu.memory_space<hbm>> -> memref<64x128xf32, #tpu.memory_space<hbm>>
    %dma_start3A_40 = arith.constant 64 : i32
    %dma_start3A_41 = arith.constant 0 : i32
    %dma_start3A_42 = tpu.memref_slice %arg7[%dma_start3A_40, %dma_start3A_41] : memref<128x128xf32, #tpu.memory_space<vmem>> -> memref<64x128xf32, #tpu.memory_space<vmem>>
    %dma_start3A_43 = arith.constant 64 : i32
    %dma_start3A_44 = tpu.memref_slice %arg2[%add3A, %dma_start3A_43, %mul3A_0] : memref<1250x128x256xf32, #tpu.memory_space<hbm>> -> memref<1x64x128xf32, #tpu.memory_space<hbm>>
    %dma_start3A_45 = tpu.memref_squeeze %dma_start3A_44 : memref<1x64x128xf32, #tpu.memory_space<hbm>> -> memref<64x128xf32, #tpu.memory_space<hbm>>
    tpu.enqueue_dma source(%dma_start3A_45 : memref<64x128xf32, #tpu.memory_space<hbm>>) target(%dma_start3A_42 : memref<64x128xf32, #tpu.memory_space<vmem>>) target_semaphore(%arg12 : memref<!tpu.dma_semaphore, #tpu.memory_space<semaphore_mem>>)
    %barrier3A = arith.constant 0 : index
    tpu.barrier barrier_id(%barrier3A)
    %scan3A = arith.constant 0 : i32
    %scan3A_46 = arith.constant 0 : i32
    %scan3A_47 = arith.constant 39 : i32
    %scan3A_48 = arith.addi %scan3A_46, %scan3A_47 : i32
    %scan3A_49 = arith.constant 1 : i32
    scf.for %scan3A_85 = %scan3A_46 to %scan3A_48 step %scan3A_49  : i32 {
      %mul3A_86 = arith.constant 2 : i32
      %mul3A_87 = arith.muli %scan3A_85, %mul3A_86 : i32
      %add3A_88 = arith.addi %add3A, %mul3A_87 : i32
      %add3A_89 = arith.constant 1 : i32
      %add3A_90 = arith.addi %add3A_88, %add3A_89 : i32
      %dma_wait3A_91 = arith.constant 0 : i32
      %dma_wait3A_92 = arith.constant 0 : i32
      %dma_wait3A_93 = tpu.memref_slice %arg7[%dma_wait3A_91, %dma_wait3A_92] : memref<128x128xf32, #tpu.memory_space<vmem>> -> memref<64x128xf32, #tpu.memory_space<vmem>>
      %dma_wait3A_94 = arith.constant 0 : i32
      %dma_wait3A_95 = tpu.memref_slice %arg2[%add3A_88, %dma_wait3A_94, %mul3A_0] : memref<1250x128x256xf32, #tpu.memory_space<hbm>> -> memref<1x64x128xf32, #tpu.memory_space<hbm>>
      %dma_wait3A_96 = tpu.memref_squeeze %dma_wait3A_95 : memref<1x64x128xf32, #tpu.memory_space<hbm>> -> memref<64x128xf32, #tpu.memory_space<hbm>>
      %dma_wait3A_97 = arith.constant 0 : i32
      %dma_wait3A_98 = arith.constant 0 : i32
      %dma_wait3A_99 = tpu.memref_slice %arg7[%dma_wait3A_97, %dma_wait3A_98] : memref<128x128xf32, #tpu.memory_space<vmem>> -> memref<64x128xf32, #tpu.memory_space<vmem>>
      %dma_wait3A_100 = arith.constant 0 : i32
      %dma_wait3A_101 = tpu.memref_slice %arg2[%add3A_88, %dma_wait3A_100, %mul3A_0] : memref<1250x128x256xf32, #tpu.memory_space<hbm>> -> memref<1x64x128xf32, #tpu.memory_space<hbm>>
      %dma_wait3A_102 = tpu.memref_squeeze %dma_wait3A_101 : memref<1x64x128xf32, #tpu.memory_space<hbm>> -> memref<64x128xf32, #tpu.memory_space<hbm>>
      tpu.wait_dma2 semaphore(%arg10 : memref<!tpu.dma_semaphore, #tpu.memory_space<semaphore_mem>>) src(%dma_wait3A_102 : memref<64x128xf32, #tpu.memory_space<hbm>>) dst(%dma_wait3A_99 : memref<64x128xf32, #tpu.memory_space<vmem>>)
      %dma_wait3A_103 = arith.constant 64 : i32
      %dma_wait3A_104 = arith.constant 0 : i32
      %dma_wait3A_105 = tpu.memref_slice %arg7[%dma_wait3A_103, %dma_wait3A_104] : memref<128x128xf32, #tpu.memory_space<vmem>> -> memref<64x128xf32, #tpu.memory_space<vmem>>
      %dma_wait3A_106 = arith.constant 64 : i32
      %dma_wait3A_107 = tpu.memref_slice %arg2[%add3A_88, %dma_wait3A_106, %mul3A_0] : memref<1250x128x256xf32, #tpu.memory_space<hbm>> -> memref<1x64x128xf32, #tpu.memory_space<hbm>>
      %dma_wait3A_108 = tpu.memref_squeeze %dma_wait3A_107 : memref<1x64x128xf32, #tpu.memory_space<hbm>> -> memref<64x128xf32, #tpu.memory_space<hbm>>
      %dma_wait3A_109 = arith.constant 64 : i32
      %dma_wait3A_110 = arith.constant 0 : i32
      %dma_wait3A_111 = tpu.memref_slice %arg7[%dma_wait3A_109, %dma_wait3A_110] : memref<128x128xf32, #tpu.memory_space<vmem>> -> memref<64x128xf32, #tpu.memory_space<vmem>>
      %dma_wait3A_112 = arith.constant 64 : i32
      %dma_wait3A_113 = tpu.memref_slice %arg2[%add3A_88, %dma_wait3A_112, %mul3A_0] : memref<1250x128x256xf32, #tpu.memory_space<hbm>> -> memref<1x64x128xf32, #tpu.memory_space<hbm>>
      %dma_wait3A_114 = tpu.memref_squeeze %dma_wait3A_113 : memref<1x64x128xf32, #tpu.memory_space<hbm>> -> memref<64x128xf32, #tpu.memory_space<hbm>>
      tpu.wait_dma2 semaphore(%arg12 : memref<!tpu.dma_semaphore, #tpu.memory_space<semaphore_mem>>) src(%dma_wait3A_114 : memref<64x128xf32, #tpu.memory_space<hbm>>) dst(%dma_wait3A_111 : memref<64x128xf32, #tpu.memory_space<vmem>>)
      %dma_start3A_115 = arith.constant 0 : i32
      %dma_start3A_116 = arith.constant 0 : i32
      %dma_start3A_117 = tpu.memref_slice %arg8[%dma_start3A_115, %dma_start3A_116] : memref<128x128xf32, #tpu.memory_space<vmem>> -> memref<64x128xf32, #tpu.memory_space<vmem>>
      %dma_start3A_118 = arith.constant 0 : i32
      %dma_start3A_119 = tpu.memref_slice %arg2[%add3A_90, %dma_start3A_118, %mul3A_0] : memref<1250x128x256xf32, #tpu.memory_space<hbm>> -> memref<1x64x128xf32, #tpu.memory_space<hbm>>
      %dma_start3A_120 = tpu.memref_squeeze %dma_start3A_119 : memref<1x64x128xf32, #tpu.memory_space<hbm>> -> memref<64x128xf32, #tpu.memory_space<hbm>>
      %dma_start3A_121 = arith.constant 0 : i32
      %dma_start3A_122 = arith.constant 0 : i32
      %dma_start3A_123 = tpu.memref_slice %arg8[%dma_start3A_121, %dma_start3A_122] : memref<128x128xf32, #tpu.memory_space<vmem>> -> memref<64x128xf32, #tpu.memory_space<vmem>>
      %dma_start3A_124 = arith.constant 0 : i32
      %dma_start3A_125 = tpu.memref_slice %arg2[%add3A_90, %dma_start3A_124, %mul3A_0] : memref<1250x128x256xf32, #tpu.memory_space<hbm>> -> memref<1x64x128xf32, #tpu.memory_space<hbm>>
      %dma_start3A_126 = tpu.memref_squeeze %dma_start3A_125 : memref<1x64x128xf32, #tpu.memory_space<hbm>> -> memref<64x128xf32, #tpu.memory_space<hbm>>
      tpu.enqueue_dma source(%dma_start3A_126 : memref<64x128xf32, #tpu.memory_space<hbm>>) target(%dma_start3A_123 : memref<64x128xf32, #tpu.memory_space<vmem>>) target_semaphore(%arg11 : memref<!tpu.dma_semaphore, #tpu.memory_space<semaphore_mem>>)
      %dma_start3A_127 = arith.constant 64 : i32
      %dma_start3A_128 = arith.constant 0 : i32
      %dma_start3A_129 = tpu.memref_slice %arg8[%dma_start3A_127, %dma_start3A_128] : memref<128x128xf32, #tpu.memory_space<vmem>> -> memref<64x128xf32, #tpu.memory_space<vmem>>
      %dma_start3A_130 = arith.constant 64 : i32
      %dma_start3A_131 = tpu.memref_slice %arg2[%add3A_90, %dma_start3A_130, %mul3A_0] : memref<1250x128x256xf32, #tpu.memory_space<hbm>> -> memref<1x64x128xf32, #tpu.memory_space<hbm>>
      %dma_start3A_132 = tpu.memref_squeeze %dma_start3A_131 : memref<1x64x128xf32, #tpu.memory_space<hbm>> -> memref<64x128xf32, #tpu.memory_space<hbm>>
      %dma_start3A_133 = arith.constant 64 : i32
      %dma_start3A_134 = arith.constant 0 : i32
      %dma_start3A_135 = tpu.memref_slice %arg8[%dma_start3A_133, %dma_start3A_134] : memref<128x128xf32, #tpu.memory_space<vmem>> -> memref<64x128xf32, #tpu.memory_space<vmem>>
      %dma_start3A_136 = arith.constant 64 : i32
      %dma_start3A_137 = tpu.memref_slice %arg2[%add3A_90, %dma_start3A_136, %mul3A_0] : memref<1250x128x256xf32, #tpu.memory_space<hbm>> -> memref<1x64x128xf32, #tpu.memory_space<hbm>>
      %dma_start3A_138 = tpu.memref_squeeze %dma_start3A_137 : memref<1x64x128xf32, #tpu.memory_space<hbm>> -> memref<64x128xf32, #tpu.memory_space<hbm>>
      tpu.enqueue_dma source(%dma_start3A_138 : memref<64x128xf32, #tpu.memory_space<hbm>>) target(%dma_start3A_135 : memref<64x128xf32, #tpu.memory_space<vmem>>) target_semaphore(%arg13 : memref<!tpu.dma_semaphore, #tpu.memory_space<semaphore_mem>>)
      %mul3A_139 = arith.constant 2 : i32
      %mul3A_140 = arith.muli %scan3A_85, %mul3A_139 : i32
      %run_scoped3A = arith.constant 0 : i32
      "tpu.region"() ({
        %run_scoped3A_210 = tpu.sem_alloc : memref<!tpu.dma_semaphore, #tpu.memory_space<semaphore_mem>>
        %dma_start3A_211 = arith.constant 0 : i32
        %dma_start3A_212 = tpu.memref_slice %arg6[%mul3A_140, %run_scoped3A, %dma_start3A_211] : memref<79x1x128xi32, #tpu.memory_space<vmem>> -> memref<1x1x128xi32, #tpu.memory_space<vmem>>
        %dma_start3A_213 = tpu.memref_squeeze %dma_start3A_212 : memref<1x1x128xi32, #tpu.memory_space<vmem>> -> memref<128xi32, #tpu.memory_space<vmem>>
        %dma_start3A_214 = arith.constant 0 : i32
        %dma_start3A_215 = arith.constant 0 : i32
        %dma_start3A_216 = tpu.memref_slice %arg9[%dma_start3A_214, %dma_start3A_215] : memref<10000x128xf32, #tpu.memory_space<vmem_shared>> -> memref<10000x128xf32, #tpu.memory_space<vmem_shared>>
        tpu.enqueue_indirect_dma source(%arg7 : memref<128x128xf32, #tpu.memory_space<vmem>>) target(%dma_start3A_216 : memref<10000x128xf32, #tpu.memory_space<vmem_shared>>) offsets(%dma_start3A_213 : memref<128xi32, #tpu.memory_space<vmem>>) semaphore(%run_scoped3A_210 : memref<!tpu.dma_semaphore, #tpu.memory_space<semaphore_mem>>) {add = true}
        %dma_wait3A_217 = arith.constant 0 : i32
        %dma_wait3A_218 = tpu.memref_slice %arg6[%mul3A_140, %run_scoped3A, %dma_wait3A_217] : memref<79x1x128xi32, #tpu.memory_space<vmem>> -> memref<1x1x128xi32, #tpu.memory_space<vmem>>
        %dma_wait3A_219 = tpu.memref_squeeze %dma_wait3A_218 : memref<1x1x128xi32, #tpu.memory_space<vmem>> -> memref<128xi32, #tpu.memory_space<vmem>>
        %dma_wait3A_220 = arith.constant 0 : i32
        %dma_wait3A_221 = arith.constant 0 : i32
        %dma_wait3A_222 = tpu.memref_slice %arg9[%dma_wait3A_220, %dma_wait3A_221] : memref<10000x128xf32, #tpu.memory_space<vmem_shared>> -> memref<10000x128xf32, #tpu.memory_space<vmem_shared>>
        tpu.wait_indirect_dma semaphore(%run_scoped3A_210 : memref<!tpu.dma_semaphore, #tpu.memory_space<semaphore_mem>>) src(%arg7 : memref<128x128xf32, #tpu.memory_space<vmem>>) dst(%dma_wait3A_222 : memref<10000x128xf32, #tpu.memory_space<vmem_shared>>)
        tpu.yield
      }) : () -> ()
      %mul3A_141 = arith.constant 2 : i32
      %mul3A_142 = arith.muli %scan3A_85, %mul3A_141 : i32
      %add3A_143 = arith.constant 2 : i32
      %add3A_144 = arith.addi %mul3A_142, %add3A_143 : i32
      %jit3A = arith.constant 78 : i32
      %eq3A_145 = arith.constant 0 : i32
      %eq3A_146 = arith.cmpi eq, %jit3A, %eq3A_145 : i32
      %jit3A_147 = arith.constant 1 : i32
      %select_n3A = arith.select %eq3A_146, %jit3A_147, %jit3A : i32
      %rem3A = arith.remsi %add3A_144, %select_n3A : i32
      %ne3A = arith.constant 0 : i32
      %ne3A_148 = arith.cmpi ne, %rem3A, %ne3A : i32
      %lt3A_149 = arith.constant 0 : i32
      %lt3A_150 = arith.cmpi slt, %rem3A, %lt3A_149 : i32
      %lt3A_151 = arith.constant 0 : i32
      %lt3A_152 = arith.cmpi slt, %select_n3A, %lt3A_151 : i32
      %ne3A_153 = arith.xori %lt3A_150, %lt3A_152 : i1
      %and3A = arith.andi %ne3A_153, %ne3A_148 : i1
      %add3A_154 = arith.addi %rem3A, %select_n3A : i32
      %select_n3A_155 = arith.select %and3A, %add3A_154, %rem3A : i32
      %add3A_156 = arith.addi %add3A, %select_n3A_155 : i32
      %dma_wait3A_157 = arith.constant 0 : i32
      %dma_wait3A_158 = arith.constant 0 : i32
      %dma_wait3A_159 = tpu.memref_slice %arg8[%dma_wait3A_157, %dma_wait3A_158] : memref<128x128xf32, #tpu.memory_space<vmem>> -> memref<64x128xf32, #tpu.memory_space<vmem>>
      %dma_wait3A_160 = arith.constant 0 : i32
      %dma_wait3A_161 = tpu.memref_slice %arg2[%add3A_90, %dma_wait3A_160, %mul3A_0] : memref<1250x128x256xf32, #tpu.memory_space<hbm>> -> memref<1x64x128xf32, #tpu.memory_space<hbm>>
      %dma_wait3A_162 = tpu.memref_squeeze %dma_wait3A_161 : memref<1x64x128xf32, #tpu.memory_space<hbm>> -> memref<64x128xf32, #tpu.memory_space<hbm>>
      %dma_wait3A_163 = arith.constant 0 : i32
      %dma_wait3A_164 = arith.constant 0 : i32
      %dma_wait3A_165 = tpu.memref_slice %arg8[%dma_wait3A_163, %dma_wait3A_164] : memref<128x128xf32, #tpu.memory_space<vmem>> -> memref<64x128xf32, #tpu.memory_space<vmem>>
      %dma_wait3A_166 = arith.constant 0 : i32
      %dma_wait3A_167 = tpu.memref_slice %arg2[%add3A_90, %dma_wait3A_166, %mul3A_0] : memref<1250x128x256xf32, #tpu.memory_space<hbm>> -> memref<1x64x128xf32, #tpu.memory_space<hbm>>
      %dma_wait3A_168 = tpu.memref_squeeze %dma_wait3A_167 : memref<1x64x128xf32, #tpu.memory_space<hbm>> -> memref<64x128xf32, #tpu.memory_space<hbm>>
      tpu.wait_dma2 semaphore(%arg11 : memref<!tpu.dma_semaphore, #tpu.memory_space<semaphore_mem>>) src(%dma_wait3A_168 : memref<64x128xf32, #tpu.memory_space<hbm>>) dst(%dma_wait3A_165 : memref<64x128xf32, #tpu.memory_space<vmem>>)
      %dma_wait3A_169 = arith.constant 64 : i32
      %dma_wait3A_170 = arith.constant 0 : i32
      %dma_wait3A_171 = tpu.memref_slice %arg8[%dma_wait3A_169, %dma_wait3A_170] : memref<128x128xf32, #tpu.memory_space<vmem>> -> memref<64x128xf32, #tpu.memory_space<vmem>>
      %dma_wait3A_172 = arith.constant 64 : i32
      %dma_wait3A_173 = tpu.memref_slice %arg2[%add3A_90, %dma_wait3A_172, %mul3A_0] : memref<1250x128x256xf32, #tpu.memory_space<hbm>> -> memref<1x64x128xf32, #tpu.memory_space<hbm>>
      %dma_wait3A_174 = tpu.memref_squeeze %dma_wait3A_173 : memref<1x64x128xf32, #tpu.memory_space<hbm>> -> memref<64x128xf32, #tpu.memory_space<hbm>>
      %dma_wait3A_175 = arith.constant 64 : i32
      %dma_wait3A_176 = arith.constant 0 : i32
      %dma_wait3A_177 = tpu.memref_slice %arg8[%dma_wait3A_175, %dma_wait3A_176] : memref<128x128xf32, #tpu.memory_space<vmem>> -> memref<64x128xf32, #tpu.memory_space<vmem>>
      %dma_wait3A_178 = arith.constant 64 : i32
      %dma_wait3A_179 = tpu.memref_slice %arg2[%add3A_90, %dma_wait3A_178, %mul3A_0] : memref<1250x128x256xf32, #tpu.memory_space<hbm>> -> memref<1x64x128xf32, #tpu.memory_space<hbm>>
      %dma_wait3A_180 = tpu.memref_squeeze %dma_wait3A_179 : memref<1x64x128xf32, #tpu.memory_space<hbm>> -> memref<64x128xf32, #tpu.memory_space<hbm>>
      tpu.wait_dma2 semaphore(%arg13 : memref<!tpu.dma_semaphore, #tpu.memory_space<semaphore_mem>>) src(%dma_wait3A_180 : memref<64x128xf32, #tpu.memory_space<hbm>>) dst(%dma_wait3A_177 : memref<64x128xf32, #tpu.memory_space<vmem>>)
      %dma_start3A_181 = arith.constant 0 : i32
      %dma_start3A_182 = arith.constant 0 : i32
      %dma_start3A_183 = tpu.memref_slice %arg7[%dma_start3A_181, %dma_start3A_182] : memref<128x128xf32, #tpu.memory_space<vmem>> -> memref<64x128xf32, #tpu.memory_space<vmem>>
      %dma_start3A_184 = arith.constant 0 : i32
      %dma_start3A_185 = tpu.memref_slice %arg2[%add3A_156, %dma_start3A_184, %mul3A_0] : memref<1250x128x256xf32, #tpu.memory_space<hbm>> -> memref<1x64x128xf32, #tpu.memory_space<hbm>>
      %dma_start3A_186 = tpu.memref_squeeze %dma_start3A_185 : memref<1x64x128xf32, #tpu.memory_space<hbm>> -> memref<64x128xf32, #tpu.memory_space<hbm>>
      %dma_start3A_187 = arith.constant 0 : i32
      %dma_start3A_188 = arith.constant 0 : i32
      %dma_start3A_189 = tpu.memref_slice %arg7[%dma_start3A_187, %dma_start3A_188] : memref<128x128xf32, #tpu.memory_space<vmem>> -> memref<64x128xf32, #tpu.memory_space<vmem>>
      %dma_start3A_190 = arith.constant 0 : i32
      %dma_start3A_191 = tpu.memref_slice %arg2[%add3A_156, %dma_start3A_190, %mul3A_0] : memref<1250x128x256xf32, #tpu.memory_space<hbm>> -> memref<1x64x128xf32, #tpu.memory_space<hbm>>
      %dma_start3A_192 = tpu.memref_squeeze %dma_start3A_191 : memref<1x64x128xf32, #tpu.memory_space<hbm>> -> memref<64x128xf32, #tpu.memory_space<hbm>>
      tpu.enqueue_dma source(%dma_start3A_192 : memref<64x128xf32, #tpu.memory_space<hbm>>) target(%dma_start3A_189 : memref<64x128xf32, #tpu.memory_space<vmem>>) target_semaphore(%arg10 : memref<!tpu.dma_semaphore, #tpu.memory_space<semaphore_mem>>)
      %dma_start3A_193 = arith.constant 64 : i32
      %dma_start3A_194 = arith.constant 0 : i32
      %dma_start3A_195 = tpu.memref_slice %arg7[%dma_start3A_193, %dma_start3A_194] : memref<128x128xf32, #tpu.memory_space<vmem>> -> memref<64x128xf32, #tpu.memory_space<vmem>>
      %dma_start3A_196 = arith.constant 64 : i32
      %dma_start3A_197 = tpu.memref_slice %arg2[%add3A_156, %dma_start3A_196, %mul3A_0] : memref<1250x128x256xf32, #tpu.memory_space<hbm>> -> memref<1x64x128xf32, #tpu.memory_space<hbm>>
      %dma_start3A_198 = tpu.memref_squeeze %dma_start3A_197 : memref<1x64x128xf32, #tpu.memory_space<hbm>> -> memref<64x128xf32, #tpu.memory_space<hbm>>
      %dma_start3A_199 = arith.constant 64 : i32
      %dma_start3A_200 = arith.constant 0 : i32
      %dma_start3A_201 = tpu.memref_slice %arg7[%dma_start3A_199, %dma_start3A_200] : memref<128x128xf32, #tpu.memory_space<vmem>> -> memref<64x128xf32, #tpu.memory_space<vmem>>
      %dma_start3A_202 = arith.constant 64 : i32
      %dma_start3A_203 = tpu.memref_slice %arg2[%add3A_156, %dma_start3A_202, %mul3A_0] : memref<1250x128x256xf32, #tpu.memory_space<hbm>> -> memref<1x64x128xf32, #tpu.memory_space<hbm>>
      %dma_start3A_204 = tpu.memref_squeeze %dma_start3A_203 : memref<1x64x128xf32, #tpu.memory_space<hbm>> -> memref<64x128xf32, #tpu.memory_space<hbm>>
      tpu.enqueue_dma source(%dma_start3A_204 : memref<64x128xf32, #tpu.memory_space<hbm>>) target(%dma_start3A_201 : memref<64x128xf32, #tpu.memory_space<vmem>>) target_semaphore(%arg12 : memref<!tpu.dma_semaphore, #tpu.memory_space<semaphore_mem>>)
      %mul3A_205 = arith.constant 2 : i32
      %mul3A_206 = arith.muli %scan3A_85, %mul3A_205 : i32
      %add3A_207 = arith.constant 1 : i32
      %add3A_208 = arith.addi %mul3A_206, %add3A_207 : i32
      %run_scoped3A_209 = arith.constant 0 : i32
      "tpu.region"() ({
        %run_scoped3A_210 = tpu.sem_alloc : memref<!tpu.dma_semaphore, #tpu.memory_space<semaphore_mem>>
        %dma_start3A_211 = arith.constant 0 : i32
        %dma_start3A_212 = tpu.memref_slice %arg6[%add3A_208, %run_scoped3A_209, %dma_start3A_211] : memref<79x1x128xi32, #tpu.memory_space<vmem>> -> memref<1x1x128xi32, #tpu.memory_space<vmem>>
        %dma_start3A_213 = tpu.memref_squeeze %dma_start3A_212 : memref<1x1x128xi32, #tpu.memory_space<vmem>> -> memref<128xi32, #tpu.memory_space<vmem>>
        %dma_start3A_214 = arith.constant 0 : i32
        %dma_start3A_215 = arith.constant 0 : i32
        %dma_start3A_216 = tpu.memref_slice %arg9[%dma_start3A_214, %dma_start3A_215] : memref<10000x128xf32, #tpu.memory_space<vmem_shared>> -> memref<10000x128xf32, #tpu.memory_space<vmem_shared>>
        tpu.enqueue_indirect_dma source(%arg8 : memref<128x128xf32, #tpu.memory_space<vmem>>) target(%dma_start3A_216 : memref<10000x128xf32, #tpu.memory_space<vmem_shared>>) offsets(%dma_start3A_213 : memref<128xi32, #tpu.memory_space<vmem>>) semaphore(%run_scoped3A_210 : memref<!tpu.dma_semaphore, #tpu.memory_space<semaphore_mem>>) {add = true}
        %dma_wait3A_217 = arith.constant 0 : i32
        %dma_wait3A_218 = tpu.memref_slice %arg6[%add3A_208, %run_scoped3A_209, %dma_wait3A_217] : memref<79x1x128xi32, #tpu.memory_space<vmem>> -> memref<1x1x128xi32, #tpu.memory_space<vmem>>
        %dma_wait3A_219 = tpu.memref_squeeze %dma_wait3A_218 : memref<1x1x128xi32, #tpu.memory_space<vmem>> -> memref<128xi32, #tpu.memory_space<vmem>>
        %dma_wait3A_220 = arith.constant 0 : i32
        %dma_wait3A_221 = arith.constant 0 : i32
        %dma_wait3A_222 = tpu.memref_slice %arg9[%dma_wait3A_220, %dma_wait3A_221] : memref<10000x128xf32, #tpu.memory_space<vmem_shared>> -> memref<10000x128xf32, #tpu.memory_space<vmem_shared>>
        tpu.wait_indirect_dma semaphore(%run_scoped3A_210 : memref<!tpu.dma_semaphore, #tpu.memory_space<semaphore_mem>>) src(%arg8 : memref<128x128xf32, #tpu.memory_space<vmem>>) dst(%dma_wait3A_222 : memref<10000x128xf32, #tpu.memory_space<vmem_shared>>)
        tpu.yield
      }) : () -> ()
    }
    %scan3A_50 = arith.constant 39 : i32
    %dma_wait3A = arith.constant 0 : i32
    %dma_wait3A_51 = arith.constant 0 : i32
    %dma_wait3A_52 = tpu.memref_slice %arg7[%dma_wait3A, %dma_wait3A_51] : memref<128x128xf32, #tpu.memory_space<vmem>> -> memref<64x128xf32, #tpu.memory_space<vmem>>
    %dma_wait3A_53 = arith.constant 0 : i32
    %dma_wait3A_54 = tpu.memref_slice %arg2[%add3A, %dma_wait3A_53, %mul3A_0] : memref<1250x128x256xf32, #tpu.memory_space<hbm>> -> memref<1x64x128xf32, #tpu.memory_space<hbm>>
    %dma_wait3A_55 = tpu.memref_squeeze %dma_wait3A_54 : memref<1x64x128xf32, #tpu.memory_space<hbm>> -> memref<64x128xf32, #tpu.memory_space<hbm>>
    %dma_wait3A_56 = arith.constant 0 : i32
    %dma_wait3A_57 = arith.constant 0 : i32
    %dma_wait3A_58 = tpu.memref_slice %arg7[%dma_wait3A_56, %dma_wait3A_57] : memref<128x128xf32, #tpu.memory_space<vmem>> -> memref<64x128xf32, #tpu.memory_space<vmem>>
    %dma_wait3A_59 = arith.constant 0 : i32
    %dma_wait3A_60 = tpu.memref_slice %arg2[%add3A, %dma_wait3A_59, %mul3A_0] : memref<1250x128x256xf32, #tpu.memory_space<hbm>> -> memref<1x64x128xf32, #tpu.memory_space<hbm>>
    %dma_wait3A_61 = tpu.memref_squeeze %dma_wait3A_60 : memref<1x64x128xf32, #tpu.memory_space<hbm>> -> memref<64x128xf32, #tpu.memory_space<hbm>>
    tpu.wait_dma2 semaphore(%arg10 : memref<!tpu.dma_semaphore, #tpu.memory_space<semaphore_mem>>) src(%dma_wait3A_61 : memref<64x128xf32, #tpu.memory_space<hbm>>) dst(%dma_wait3A_58 : memref<64x128xf32, #tpu.memory_space<vmem>>)
    %dma_wait3A_62 = arith.constant 64 : i32
    %dma_wait3A_63 = arith.constant 0 : i32
    %dma_wait3A_64 = tpu.memref_slice %arg7[%dma_wait3A_62, %dma_wait3A_63] : memref<128x128xf32, #tpu.memory_space<vmem>> -> memref<64x128xf32, #tpu.memory_space<vmem>>
    %dma_wait3A_65 = arith.constant 64 : i32
    %dma_wait3A_66 = tpu.memref_slice %arg2[%add3A, %dma_wait3A_65, %mul3A_0] : memref<1250x128x256xf32, #tpu.memory_space<hbm>> -> memref<1x64x128xf32, #tpu.memory_space<hbm>>
    %dma_wait3A_67 = tpu.memref_squeeze %dma_wait3A_66 : memref<1x64x128xf32, #tpu.memory_space<hbm>> -> memref<64x128xf32, #tpu.memory_space<hbm>>
    %dma_wait3A_68 = arith.constant 64 : i32
    %dma_wait3A_69 = arith.constant 0 : i32
    %dma_wait3A_70 = tpu.memref_slice %arg7[%dma_wait3A_68, %dma_wait3A_69] : memref<128x128xf32, #tpu.memory_space<vmem>> -> memref<64x128xf32, #tpu.memory_space<vmem>>
    %dma_wait3A_71 = arith.constant 64 : i32
    %dma_wait3A_72 = tpu.memref_slice %arg2[%add3A, %dma_wait3A_71, %mul3A_0] : memref<1250x128x256xf32, #tpu.memory_space<hbm>> -> memref<1x64x128xf32, #tpu.memory_space<hbm>>
    %dma_wait3A_73 = tpu.memref_squeeze %dma_wait3A_72 : memref<1x64x128xf32, #tpu.memory_space<hbm>> -> memref<64x128xf32, #tpu.memory_space<hbm>>
    tpu.wait_dma2 semaphore(%arg12 : memref<!tpu.dma_semaphore, #tpu.memory_space<semaphore_mem>>) src(%dma_wait3A_73 : memref<64x128xf32, #tpu.memory_space<hbm>>) dst(%dma_wait3A_70 : memref<64x128xf32, #tpu.memory_space<vmem>>)
    %lt3A_74 = arith.constant 2 : i32
    %lt3A_75 = arith.cmpi slt, %arg1, %lt3A_74 : i32
    %convert_element_type3A_76 = arith.extui %lt3A_75 : i1 to i32
    %cond3A_77 = arith.constant 0 : i32
    %cond3A_78 = arith.cmpi ne, %convert_element_type3A_76, %cond3A_77 : i32
    scf.if %cond3A_78 {
      %add3A_85 = arith.constant 78 : i32
      %add3A_86 = arith.addi %add3A, %add3A_85 : i32
      "tpu.region"() ({
        %run_scoped3A_88 = tpu.sem_alloc : memref<!tpu.dma_semaphore, #tpu.memory_space<semaphore_mem>>
        %dma_start3A_89 = arith.constant 0 : i32
        %dma_start3A_90 = tpu.memref_slice %arg2[%add3A_86, %dma_start3A_89, %mul3A_0] : memref<1250x128x256xf32, #tpu.memory_space<hbm>> -> memref<1x128x128xf32, #tpu.memory_space<hbm>>
        %dma_start3A_91 = tpu.memref_squeeze %dma_start3A_90 : memref<1x128x128xf32, #tpu.memory_space<hbm>> -> memref<128x128xf32, #tpu.memory_space<hbm>>
        %dma_start3A_92 = arith.constant 0 : i32
        %dma_start3A_93 = tpu.memref_slice %arg2[%add3A_86, %dma_start3A_92, %mul3A_0] : memref<1250x128x256xf32, #tpu.memory_space<hbm>> -> memref<1x128x128xf32, #tpu.memory_space<hbm>>
        %dma_start3A_94 = tpu.memref_squeeze %dma_start3A_93 : memref<1x128x128xf32, #tpu.memory_space<hbm>> -> memref<128x128xf32, #tpu.memory_space<hbm>>
        tpu.enqueue_dma source(%dma_start3A_94 : memref<128x128xf32, #tpu.memory_space<hbm>>) target(%arg7 : memref<128x128xf32, #tpu.memory_space<vmem>>) target_semaphore(%run_scoped3A_88 : memref<!tpu.dma_semaphore, #tpu.memory_space<semaphore_mem>>)
        %dma_wait3A_95 = arith.constant 0 : i32
        %dma_wait3A_96 = tpu.memref_slice %arg2[%add3A_86, %dma_wait3A_95, %mul3A_0] : memref<1250x128x256xf32, #tpu.memory_space<hbm>> -> memref<1x128x128xf32, #tpu.memory_space<hbm>>
        %dma_wait3A_97 = tpu.memref_squeeze %dma_wait3A_96 : memref<1x128x128xf32, #tpu.memory_space<hbm>> -> memref<128x128xf32, #tpu.memory_space<hbm>>
        %dma_wait3A_98 = arith.constant 0 : i32
        %dma_wait3A_99 = tpu.memref_slice %arg2[%add3A_86, %dma_wait3A_98, %mul3A_0] : memref<1250x128x256xf32, #tpu.memory_space<hbm>> -> memref<1x128x128xf32, #tpu.memory_space<hbm>>
        %dma_wait3A_100 = tpu.memref_squeeze %dma_wait3A_99 : memref<1x128x128xf32, #tpu.memory_space<hbm>> -> memref<128x128xf32, #tpu.memory_space<hbm>>
        tpu.wait_dma2 semaphore(%run_scoped3A_88 : memref<!tpu.dma_semaphore, #tpu.memory_space<semaphore_mem>>) src(%dma_wait3A_100 : memref<128x128xf32, #tpu.memory_space<hbm>>) dst(%arg7 : memref<128x128xf32, #tpu.memory_space<vmem>>)
        tpu.yield
      }) : () -> ()
      %run_scoped3A = arith.constant 78 : i32
      %run_scoped3A_87 = arith.constant 0 : i32
      "tpu.region"() ({
        %run_scoped3A_88 = tpu.sem_alloc : memref<!tpu.dma_semaphore, #tpu.memory_space<semaphore_mem>>
        %dma_start3A_89 = arith.constant 0 : i32
        %dma_start3A_90 = tpu.memref_slice %arg6[%run_scoped3A, %run_scoped3A_87, %dma_start3A_89] : memref<79x1x128xi32, #tpu.memory_space<vmem>> -> memref<1x1x128xi32, #tpu.memory_space<vmem>>
        %dma_start3A_91 = tpu.memref_squeeze %dma_start3A_90 : memref<1x1x128xi32, #tpu.memory_space<vmem>> -> memref<128xi32, #tpu.memory_space<vmem>>
        %dma_start3A_92 = arith.constant 0 : i32
        %dma_start3A_93 = arith.constant 0 : i32
        %dma_start3A_94 = tpu.memref_slice %arg9[%dma_start3A_92, %dma_start3A_93] : memref<10000x128xf32, #tpu.memory_space<vmem_shared>> -> memref<10000x128xf32, #tpu.memory_space<vmem_shared>>
        tpu.enqueue_indirect_dma source(%arg7 : memref<128x128xf32, #tpu.memory_space<vmem>>) target(%dma_start3A_94 : memref<10000x128xf32, #tpu.memory_space<vmem_shared>>) offsets(%dma_start3A_91 : memref<128xi32, #tpu.memory_space<vmem>>) semaphore(%run_scoped3A_88 : memref<!tpu.dma_semaphore, #tpu.memory_space<semaphore_mem>>) {add = true}
        %dma_wait3A_95 = arith.constant 0 : i32
        %dma_wait3A_96 = tpu.memref_slice %arg6[%run_scoped3A, %run_scoped3A_87, %dma_wait3A_95] : memref<79x1x128xi32, #tpu.memory_space<vmem>> -> memref<1x1x128xi32, #tpu.memory_space<vmem>>
        %dma_wait3A_97 = tpu.memref_squeeze %dma_wait3A_96 : memref<1x1x128xi32, #tpu.memory_space<vmem>> -> memref<128xi32, #tpu.memory_space<vmem>>
        %dma_wait3A_98 = arith.constant 0 : i32
        %dma_wait3A_99 = arith.constant 0 : i32
        %dma_wait3A_100 = tpu.memref_slice %arg9[%dma_wait3A_98, %dma_wait3A_99] : memref<10000x128xf32, #tpu.memory_space<vmem_shared>> -> memref<10000x128xf32, #tpu.memory_space<vmem_shared>>
        tpu.wait_indirect_dma semaphore(%run_scoped3A_88 : memref<!tpu.dma_semaphore, #tpu.memory_space<semaphore_mem>>) src(%arg7 : memref<128x128xf32, #tpu.memory_space<vmem>>) dst(%dma_wait3A_100 : memref<10000x128xf32, #tpu.memory_space<vmem_shared>>)
        tpu.yield
      }) : () -> ()
    } else {
    }
    %barrier3A_79 = arith.constant 0 : index
    tpu.barrier barrier_id(%barrier3A_79)
    "tpu.region"() ({
      %run_scoped3A = tpu.sem_alloc : memref<!tpu.dma_semaphore, #tpu.memory_space<semaphore_mem>>
      %dma_start3A_85 = tpu.memref_slice %arg5[%mul3A_5, %mul3A_0] : memref<10000x256xf32, #tpu.memory_space<hbm>> -> memref<624x128xf32, #tpu.memory_space<hbm>>
      %dma_start3A_86 = arith.constant 0 : i32
      %dma_start3A_87 = tpu.memref_slice %arg9[%mul3A_5, %dma_start3A_86] : memref<10000x128xf32, #tpu.memory_space<vmem_shared>> -> memref<624x128xf32, #tpu.memory_space<vmem_shared>>
      tpu.enqueue_dma source(%dma_start3A_87 : memref<624x128xf32, #tpu.memory_space<vmem_shared>>) target(%dma_start3A_85 : memref<624x128xf32, #tpu.memory_space<hbm>>) target_semaphore(%run_scoped3A : memref<!tpu.dma_semaphore, #tpu.memory_space<semaphore_mem>>)
      %dma_wait3A_88 = tpu.memref_slice %arg5[%mul3A_5, %mul3A_0] : memref<10000x256xf32, #tpu.memory_space<hbm>> -> memref<624x128xf32, #tpu.memory_space<hbm>>
      %dma_wait3A_89 = arith.constant 0 : i32
      %dma_wait3A_90 = tpu.memref_slice %arg9[%mul3A_5, %dma_wait3A_89] : memref<10000x128xf32, #tpu.memory_space<vmem_shared>> -> memref<624x128xf32, #tpu.memory_space<vmem_shared>>
      tpu.wait_dma2 semaphore(%run_scoped3A : memref<!tpu.dma_semaphore, #tpu.memory_space<semaphore_mem>>) src(%dma_wait3A_90 : memref<624x128xf32, #tpu.memory_space<vmem_shared>>) dst(%dma_wait3A_88 : memref<624x128xf32, #tpu.memory_space<hbm>>)
      tpu.yield
    }) : () -> ()
    %eq3A_80 = arith.constant 0 : i32
    %eq3A_81 = arith.cmpi eq, %arg1, %eq3A_80 : i32
    %convert_element_type3A_82 = arith.extui %eq3A_81 : i1 to i32
    %cond3A_83 = arith.constant 0 : i32
    %cond3A_84 = arith.cmpi ne, %convert_element_type3A_82, %cond3A_83 : i32
    scf.if %cond3A_84 {
      "tpu.region"() ({
        %run_scoped3A = tpu.sem_alloc : memref<!tpu.dma_semaphore, #tpu.memory_space<semaphore_mem>>
        %dma_start3A_85 = arith.constant 9984 : i32
        %dma_start3A_86 = tpu.memref_slice %arg5[%dma_start3A_85, %mul3A_0] : memref<10000x256xf32, #tpu.memory_space<hbm>> -> memref<16x128xf32, #tpu.memory_space<hbm>>
        %dma_start3A_87 = arith.constant 9984 : i32
        %dma_start3A_88 = arith.constant 0 : i32
        %dma_start3A_89 = tpu.memref_slice %arg9[%dma_start3A_87, %dma_start3A_88] : memref<10000x128xf32, #tpu.memory_space<vmem_shared>> -> memref<16x128xf32, #tpu.memory_space<vmem_shared>>
        tpu.enqueue_dma source(%dma_start3A_89 : memref<16x128xf32, #tpu.memory_space<vmem_shared>>) target(%dma_start3A_86 : memref<16x128xf32, #tpu.memory_space<hbm>>) target_semaphore(%run_scoped3A : memref<!tpu.dma_semaphore, #tpu.memory_space<semaphore_mem>>)
        %dma_wait3A_90 = arith.constant 9984 : i32
        %dma_wait3A_91 = tpu.memref_slice %arg5[%dma_wait3A_90, %mul3A_0] : memref<10000x256xf32, #tpu.memory_space<hbm>> -> memref<16x128xf32, #tpu.memory_space<hbm>>
        %dma_wait3A_92 = arith.constant 9984 : i32
        %dma_wait3A_93 = arith.constant 0 : i32
        %dma_wait3A_94 = tpu.memref_slice %arg9[%dma_wait3A_92, %dma_wait3A_93] : memref<10000x128xf32, #tpu.memory_space<vmem_shared>> -> memref<16x128xf32, #tpu.memory_space<vmem_shared>>
        tpu.wait_dma2 semaphore(%run_scoped3A : memref<!tpu.dma_semaphore, #tpu.memory_space<semaphore_mem>>) src(%dma_wait3A_94 : memref<16x128xf32, #tpu.memory_space<vmem_shared>>) dst(%dma_wait3A_91 : memref<16x128xf32, #tpu.memory_space<hbm>>)
        tpu.yield
      }) : () -> ()
    } else {
    }
    return
  }
}

</mosaic_0001>

<sc_bundles>
// kernel: _sc_scatter_add.3.cloned.1.call-start
scs
__scs_entry_jumppad:
0x0: {  	(pc) =	sbr.rel $0x88, $3  }
0x1: {  	(tag) =	ssettag $0x0;
	lr =	simm.s32 $0x1  }
0x2: {  	[smem:$0x3F9E] =	sst lr;
	_ =	strace $0xD0000000  }
0x3: {  	_ = 	snop  }
0x4: {  	_ = 	snop  }
0x5: {  	_ = 	snop  }
0x6: {  	_ = 	snop  }
0x7: {  	_ = 	snop  }
__scs_overlays_trampoline_lowered:
0x8: {  	[smem:$0x3FAD] =	sst s0  }
0x9: {  	[smem:$0x3FAE] =	sst s1  }
0xa: {  	[smem:$0x3FAF] =	sst s2  }
0xb: {  	[smem:$0x3FB0] =	sst s3  }
0xc: {  	[smem:$0x3FB1] =	sst s4  }
0xd: {  	[smem:$0x3FB2] =	sst s5  }
0xe: {  	[smem:$0x3FB3] =	sst s6  }
0xf: {  	[smem:$0x3FB4] =	sst s7  }
0x10: {  	[smem:$0x3FB5] =	sst s8  }
0x11: {  	[smem:$0x3FB6] =	sst s9;
	s0 =	simm.s32 @!p0 $0x0  }
0x12: {  	s1 =	sld [smem:$0x3F9C];
	s0 =	simm.s32 @p0 $0x1  }
0x13: {  	[smem:$0x3FB7] =	sst s0;
	s0 =	simm.s32 @!p1 $0x0  }
0x14: {  	s2 =	sld [smem:$0x3F9B];
	s0 =	simm.s32 @p1 $0x1  }
0x15: {  	[smem:$0x3FB8] =	sst s0;
	s0 =	simm.s32 @!p2 $0x0  }
0x16: {  	s3 =	sld [smem:$0x3FDB];
	s0 =	simm.s32 @p2 $0x1  }
0x17: {  	s4 =	simm.s32 $0x1BF5;
	[smem:$0x3FBA] =	sst s0  }
0x18: {  	s0 =	sld [smem:$0x3F9D];
	_ =	swait.ge [sflag:s4], $0x0  }
0x19: {  	s7 =	sld [smem:$0x3F9E]  }
0x1a: {  	s8 =	sadd.s32 $0xFFFFE003, lr  }
0x1b: {  	s9 =	sadd.s32 $0xFFFFFEF7, lr;
	s5 =	simm.s32 $0xFFFFFFFF;
	p2 =	slt.u32 s8, $0xFFFFF086  }
0x1c: {  	p1 =	slt.u32 s9, $0xF7A;
	s5 =	simm.s32 @!p2 $0x0  }
0x1d: {  	s5 =	simm.s32 @p1 $0x1;
	p0 =	seq.s32 s7, s2  }
0x1e: {  	s7 =	smul.u32 @!p0 $0xF7A, s2;
	p2 =	seq.s32 @!p0 s5, $0x0  }
0x1f: {  	s9 =	smul.u32 $0xF7A, s1;
	s8 =	simm.s32 @!p0 $0x1BF5;
	p2 =	por !p2, p0  }
0x20: {  	[sflag:s8] =	ssyncset.s32 @!p0 $0xFFFFF086;
	s6 =	sadd.s32 @!p0 s3, s7;
	s7 =	simm.s32 @!p0 $0x108  }
0x21: {  	s3 =	sadd.s32 s3, s9;
	s6 =	sadd.s32 @!p0 $0x88, s6;
	s7 =	simm.s32 @p2 $0x1082  }
0x22: {  	[simem:s7], [sflag:s8] =	dma.local @!p0 [hbm:s6], $0xF7A  }
0x23: {  	s9 =	sor.u32 $0xD0000000, s2;
	s6 =	simm.s32 $0x108;
	_ =	swait.ge @!p0 [sflag:s8], $0x0  }
0x24: {  	s3 =	sadd.s32 $0x88, s3;
	s6 =	simm.s32 @!p1 $0x1082;
	[sflag:s4] =	ssyncset.s32 $0xFFFFF086  }
0x25: {  	[simem:s6], [sflag:s4] =	dma.local [hbm:s3], $0xF7A  }
0x26: {  	[smem:$0x3F9E] =	sst s1;
	(tag) =	ssettag s2;
	_ =	strace s9  }
0x27: {  	s1 =	sld [smem:$0x3FAE]  }
0x28: {  	s2 =	sld [smem:$0x3FAF]  }
0x29: {  	s4 =	sld [smem:$0x3FB1]  }
0x2a: {  	p0 =	seq.s32 s5, $0x0;
	s5 =	sld [smem:$0x3FB2]  }
0x2b: {  	s6 =	sld [smem:$0x3FB3]  }
0x2c: {  	s7 =	sld [smem:$0x3FB4]  }
0x2d: {  	s3 =	simm.s32 $0x108;
	s8 =	sld [smem:$0x3FB5]  }
0x2e: {  	s3 =	simm.s32 @!p0 $0x1082;
	s9 =	sld [smem:$0x3FB6]  }
0x2f: {  	lr =	sadd.s32 s0, s3;
	s0 =	sld [smem:$0x3FAD]  }
0x30: {  	s3 =	sld [smem:$0x3FB0]  }
0x31: {  	[smem:$0x3FB9] =	sst s10  }
0x32: {  	s10 =	sld [smem:$0x3FB7];
	_ =	sdelay $0x3  }
0x33: {  	p0 =	seq.s32 s10, $0x1;
	s10 =	sld [smem:$0x3FB9];
	_ =	sdelay $0x3  }
0x34: {  	[smem:$0x3FB9] =	sst s10  }
0x35: {  	s10 =	sld [smem:$0x3FB8];
	_ =	sdelay $0x3  }
0x36: {  	p1 =	seq.s32 s10, $0x1;
	s10 =	sld [smem:$0x3FB9];
	_ =	sdelay $0x3  }
0x37: {  	[smem:$0x3FB9] =	sst s10  }
0x38: {  	s10 =	sld [smem:$0x3FBA]  }
0x39: {  	_ = 	snop;
	(pc) =	sbr.ind lr, $3  }
0x3a: {  	_ = 	snop  }
0x3b: {  	_ = 	snop  }
0x3c: {  	p2 =	seq.s32 s10, $0x1;
	s10 =	sld [smem:$0x3FB9]  }
0x3d: {  	_ =	shalt  }
0x3e: {  	_ =	shalt  }
0x3f: {  	_ =	shalt  }
0x40: {  	_ =	shalt  }
0x41: {  	_ =	shalt  }
0x42: {  	_ =	shalt  }
0x43: {  	_ =	shalt  }
0x44: {  	_ =	shalt  }
0x45: {  	_ =	shalt  }
0x46: {  	_ =	shalt  }
0x47: {  	_ =	shalt  }
0x48: {  	_ =	shalt  }
0x49: {  	_ =	shalt  }
0x4a: {  	_ =	shalt  }
0x4b: {  	_ =	shalt  }
0x4c: {  	_ =	shalt  }
0x4d: {  	_ =	shalt  }
0x4e: {  	_ =	shalt  }
0x4f: {  	_ =	shalt  }
0x50: {  	_ =	shalt  }
0x51: {  	_ =	shalt  }
0x52: {  	_ =	shalt  }
0x53: {  	_ =	shalt  }
0x54: {  	_ =	shalt  }
0x55: {  	_ =	shalt  }
0x56: {  	_ =	shalt  }
0x57: {  	_ =	shalt  }
0x58: {  	_ =	shalt  }
0x59: {  	_ =	shalt  }
0x5a: {  	_ =	shalt  }
0x5b: {  	_ =	shalt  }
0x5c: {  	_ =	shalt  }
0x5d: {  	_ =	shalt  }
0x5e: {  	_ =	shalt  }
0x5f: {  	_ =	shalt  }
0x60: {  	_ =	shalt  }
0x61: {  	_ =	shalt  }
0x62: {  	_ =	shalt  }
0x63: {  	_ =	shalt  }
0x64: {  	_ =	shalt  }
0x65: {  	_ =	shalt  }
0x66: {  	_ =	shalt  }
0x67: {  	_ =	shalt  }
0x68: {  	_ =	shalt  }
0x69: {  	_ =	shalt  }
0x6a: {  	_ =	shalt  }
0x6b: {  	_ =	shalt  }
0x6c: {  	_ =	shalt  }
0x6d: {  	_ =	shalt  }
0x6e: {  	_ =	shalt  }
0x6f: {  	_ =	shalt  }
0x70: {  	_ =	shalt  }
0x71: {  	_ =	shalt  }
0x72: {  	_ =	shalt  }
0x73: {  	_ =	shalt  }
0x74: {  	_ =	shalt  }
0x75: {  	_ =	shalt  }
0x76: {  	_ =	shalt  }
0x77: {  	_ =	shalt  }
0x78: {  	_ =	shalt  }
0x79: {  	_ =	shalt  }
0x7a: {  	_ =	shalt  }
0x7b: {  	_ =	shalt  }
0x7c: {  	_ =	shalt  }
0x7d: {  	_ =	shalt  }
0x7e: {  	_ =	shalt  }
0x7f: {  	_ =	shalt  }
0x80: {  	_ =	shalt  }
0x81: {  	_ =	shalt  }
0x82: {  	_ =	shalt  }
0x83: {  	_ =	shalt  }
0x84: {  	_ =	shalt  }
0x85: {  	_ =	shalt  }
0x86: {  	_ =	shalt  }
0x87: {  	_ =	shalt  }
.Lfunc_end0:
.L_simem_size_0:
called_computation_lowered:
.L_overlay_start_0:
0x88: {  	s2 =	sld [smem:$0x3FD9]  }
0x89: {  	s3 =	sld [smem:$0x3FFE];
	_ =	sdelay $0x1  }
0x8a: {  	s1 =	srdreg.scid  }
0x8b: {  	s0 =	sand.u32 $0x1, s1  }
0x8c: {  	s18 =	sshll.u32 s0, $0xA;
	s2 =	sadd.s32 s3, s2  }
0x8d: {  	s2 =	sadd.s32 s2, s18  }
0x8e: {  	[smem:$0x3FC5] =	sst s2  }
0x8f: {  	_ = 	snop  }
0x90: {  	s2 =	sld [smem:$0x3FC9]  }
0x91: {  	s19 =	sld [smem:$0x3FC8]  }
0x92: {  	s4 =	sld [smem:$0x3FC7]  }
0x93: {  	s5 =	sld [smem:$0x3FD0];
	(tm) =	ssettm $0x1  }
0x94: {  	s6 =	sld [smem:$0x3FFB];
	_ =	sdelay $0x3  }
0x95: {  	_ =	strace s6  }
0x96: {  	s6 =	sld [smem:$0x3FFC];
	_ =	sdelay $0x3  }
0x97: {  	_ =	strace s6  }
0x98: {  	s6 =	sld [smem:$0x3FFD];
	_ =	sdelay $0x3  }
0x99: {  	_ =	strace s6  }
0x9a: {  	_ =	strace $0x8FFFFFFF  }
0x9b: {  	s20 =	sld [smem:$0x3FDB];
	_ =	sdelay $0x1  }
0x9c: {  	s7 =	simm.s32 $_scs_section_size  }
0x9d: {  	s8 =	simm.s32 $_size__tile_overlayer_lowered;
	s9 =	simm.s32 $_tile_overlayer_lowered  }
0x9e: {  	s23 =	simm.s32 $0x1BFF;
	s22 =	sshll.u32 s9, $0x1;
	s6 =	sadd.s32 s7, s20  }
0x9f: {  	s10 =	simm.s32 $0x0;
	s21 =	sshll.u32 s8, $0x1;
	s8 =	sadd.s32 s22, s6  }
0xa0: {  	[timem:s10], [sflag:s23] =	dma.local [hbm:s8], s21  }
0xa1: {  	_ =	swait.ge [sflag:s23], s21  }
0xa2: {  	s7 =	ssub.s32 $0x0, s21;
	[sflag:s23] =	ssyncset.done $0x0  }
0xa3: {  	[sflag:s23] =	ssyncadd.s32 s7;
	_ =	sdelay $0x1  }
0xa4: {  	s24 =	simm.s32 $0x1B8B  }
0xa5: {  	_ =	swait.ge [sflag:s24], $0x1  }
0xa6: {  	[sflag:s24] =	ssyncset.done $0x0  }
0xa7: {  	s25 =	simm.s32 $0x1B8E;
	[sflag:s24] =	ssyncadd.s32 $0xFFFFFFFF  }
0xa8: {  	s26 =	simm.s32 $execute0_lowered;
	[smem:$0x3FD2] =	sst s25  }
0xa9: {  	s7 =	sshll.u32 s26, $0x1;
	_ =	strace $0x80000046;
	[dreg:$0x1] =	wrdreg $0xFFFFFFFF  }
0xaa: {  	s28 =	simm.s32 $_size_execute0_lowered;
	s6 =	sadd.s32 s6, s7;
	[dreg:$0x0] =	wrdreg $0x0  }
0xab: {  	s7 =	sshll.u32 s28, $0x1;
	[dreg:$0x2] =	wrdreg s6  }
0xac: {  	[dreg:$0x3] =	wrdreg s7  }
0xad: {  	[dreg:$0x4] =	wrdreg $0xC0  }
0xae: {  	_ =	task [dreg:s10], $0x5FFFF  }
0xaf: {  	[dreg:$0x1] =	wrdreg $0xFFFFFFFF  }
0xb0: {  	[dreg:$0x0] =	wrdreg $0x60  }
0xb1: {  	[dreg:$0x2] =	wrdreg s2  }
0xb2: {  	[dreg:$0x3] =	wrdreg s19  }
0xb3: {  	[dreg:$0x4] =	wrdreg s4  }
0xb4: {  	[dreg:$0x5] =	wrdreg s5  }
0xb5: {  	[dreg:$0x6] =	wrdreg $0xA7800  }
0xb6: {  	[dreg:$0x7] =	wrdreg $0x9  }
0xb7: {  	_ =	task.clear_ibuf [dreg:s10], $0x8FFFF;
	_ =	strace $0x90000046  }
0xb8: {  	s29 =	simm.s32 $0x9;
	_ =	strace $0x80000048  }
0xb9: {  	_ =	swait.ge [sflag:s29], $0x1  }
0xba: {  	[sflag:s29] =	ssyncadd.s32 $0xFFFFFFFF  }
0xbb: {  	_ =	strace $0x90000048  }
0xbc: {  	_ =	sfence  }
0xbd: {  	s30 =	sld [smem:$0x0];
	_ =	sdelay $0x2  }
0xbe: {  	s31 =	sshll.u32 s1, $0xD;
	s1 =	sshrl.u32 s1, $0x2  }
0xbf: {  	s3 =	sand.u32 $0x4000, s31;
	s1 =	sadd.s32 s1, s30  }
0xc0: {  	s0 =	sor.u32 s3, s0;
	s1 =	sshll.u32 s1, $0x11  }
0xc1: {  	s0 =	sor.u32 s1, s0  }
0xc2: {  	s0 =	sadd.s32 $0x8F2B, s0  }
0xc3: {  	[sflag:s0] =	ssyncadd.remote.s32 $0x1  }
0xc4: {  	_ =	sfence.sel $0xFFFF  }
0xc5: {  	[dreg:$0x0] =	wrdreg $0xFFFFFFFF;
	(pc) =	sbr.abs _section_cstart, $3  }
0xc6: {  	[dreg:$0x1] =	wrdreg $0xFFFFFFFF  }
0xc7: {  	_ =	task.clear_ibuf [dreg:s10], $0x2FFFF;
	_ =	strace $0x9FFFFFFF  }
0xc8: {  	(tm) =	ssettm $0x7FFFFFFF  }
0xc9: {  	_ =	shalt  }
tec
execute0_lowered:
.L_overlay_start_1:
0x0: {  	(tag) =	ssettag $0x1  }
0x1: {  	s1 =	rddreg [dreg:$0x0]  }
0x2: {  	s0 =	rddreg [dreg:$0x1]  }
0x3: {  	s2 =	rddreg [dreg:$0x3]  }
0x4: {  	s3 =	rddreg [dreg:$0x4]  }
0x5: {  	s5 =	simm.s32 $0x0;
	s4 =	srdreg.scid;
	s13 =	stileid.u32  }
0x6: {  	s28 =	simm.s32 $0x400;
	s29 =	simm.s32 $0x800;
	s30 =	simm.s32 $0x4780  }
0x7: {  	s31 =	simm.s32 $0x1;
	[smem:$0x7FF] =	sst s5;
	s11 =	smul.u32 $0x4E000, s13  }
0x8: {  	s4 =	sand.u32 $0x1, s4;
	s8 =	smul.u32 $0x4E, s13;
	s9 =	smin.u32 s13, $0x2  }
0x9: {  	s10 =	smul.u32 $0x27000, s13;
	p0 =	sne.s32 s13, $0x0;
	p1 =	sgt.u32 s13, $0x1  }
0xa: {  	_ =	strace $0x80000047;
	s6 =	ssub.s32 $0x2, s4;
	s19 =	sshll.u32 s4, $0xA  }
0xb: {  	s4 =	sshll.u32 s4, $0x7;
	s7 =	sshrl.u32 s6, $0x1;
	s5 =	sshrl.u32 s11, $0x2  }
0xc: {  	s12 =	sadd.s32 s9, s8;
	s10 =	sor.u32 s19, s10;
	s11 =	smul.u32 $0x270000, s13  }
0xd: {  	s9 =	sshll.u32 s9, $0xF;
	s7 =	ssub.s32 s6, s7;
	s6 =	sadd.s32 s5, s3  }
0xe: {  	s18 =	sshll.u32 s12, $0x4;
	s5 =	sshll.u32 s12, $0xF;
	s14 =	sadd.s32 $0x4000, s6  }
0xf: {  	s12 =	sadd.s32 $0x138000, s3;
	s15 =	sadd.s32 $0x8000, s6;
	[dreg:$0x6] =	wrdreg s14  }
0x10: {  	s22 =	sshrl.u32 s10, $0x3;
	s16 =	sadd.s32 $0xC000, s6;
	[dreg:$0x7] =	wrdreg s15  }
0x11: {  	s17 =	sadd.s32 $0x10000, s6;
	s8 =	sadd.s32 s0, s18;
	[dreg:$0x8] =	wrdreg s16  }
0x12: {  	s5 =	sor.u32 s19, s5;
	s23 =	sadd.s32 s9, s11;
	[dreg:$0x9] =	wrdreg s17  }
0x13: {  	s0 =	simm.s32 $0x3;
	s9 =	simm.s32 $0x0;
	[dreg:$0xa] =	wrdreg s8  }
0x14: {  	s8 =	sadd.s32 $0x4E0, s8;
	s20 =	sshrl.u32 s5, $0x3;
	s14 =	sadd.s32 $0x800, s1  }
0x15: {  	s21 =	sadd.s32 $0x270000, s5;
	s24 =	sadd.s32 $0x268000, s5;
	s19 =	sor.u32 s19, s23  }
0x16: {  	s5 =	simm.s32 $0x8780;
	[dreg:$0xb] =	wrdreg s8;
	s15 =	sadd.s32 s1, s20  }
0x17: {  	s16 =	sadd.s32 s20, s14;
	s8 =	sshrl.u32 s21, $0x3;
	s25 =	sshrl.u32 s24, $0x3  }
0x18: {  	s26 =	sadd.s32 $0x8000, s19;
	s21 =	smax.u32 s7, $0x1;
	s8 =	sadd.s32 s1, s8  }
0x19: {  	s7 =	simm.s32 $0x2;
	s23 =	sadd.s32 s25, s14;
	[dreg:$0xc] =	wrdreg s8  }
0x1a: {  	s8 =	sadd.s32 s2, s22;
	s2 =	sadd.s32 s4, s2;
	s22 =	sadd.s32 s1, s25  }
0x1b: {  	s25 =	simm.s32 $0x2780;
	s4 =	simm.s32 $0x80;
	[dreg:$0xd] =	wrdreg s8  }
0x1c: {  	s20 =	sadd.s32 $0x4E000, s2;
	s2 =	sshrl.u32 s26, $0x3;
	s26 =	simm.s32 $0x5  }
0x1d: {  	s8 =	simm.s32 $0x4;
	s11 =	sadd.s32 s2, s14;
	s2 =	simm.s32 $0x6780  }
.LBB2_1:
0x1e: {  	s10 =	rddreg [dreg:$0x2];
	s13 =	simm.s32 $0x0  }
0x1f: {  	[tilespmem:s25], [sflag:$0x5] =	stream.linear.gather [hbm4b:s10+s13], $0x4000, $0x38;
	[tilespmem:$0x1E000] =	vst v63  }
0x20: {  	_ =	swait.ge [sflag:s26], $0x4000  }
0x21: {  	[sflag:s26] =	ssyncset.done $0x0  }
0x22: {  	[sflag:s26] =	ssyncadd.s32 $0xFFFFC000  }
0x23: {  	[spmem:s6] =	stream.linear.scatter [tilespmem:s25], [sflag:$0x5], $0x4000, $0x38;
	[tilespmem:$0x1E000] =	vst v63  }
0x24: {  	_ =	swait.ge [sflag:s26], $0x4000  }
0x25: {  	[sflag:s26] =	ssyncset.done $0x0  }
0x26: {  	s18 =	rddreg [dreg:$0x6];
	[sflag:s26] =	ssyncadd.s32 $0xFFFFC000  }
0x27: {  	[spmem:s18] =	stream.linear.scatter [tilespmem:s25], [sflag:$0x5], $0x4000, $0x38;
	[tilespmem:$0x1E000] =	vst v63  }
0x28: {  	_ =	swait.ge [sflag:s26], $0x4000  }
0x29: {  	[sflag:s26] =	ssyncset.done $0x0  }
0x2a: {  	s24 =	rddreg [dreg:$0x7];
	[sflag:s26] =	ssyncadd.s32 $0xFFFFC000  }
0x2b: {  	[spmem:s24] =	stream.linear.scatter [tilespmem:s25], [sflag:$0x5], $0x4000, $0x38;
	[tilespmem:$0x1E000] =	vst v63  }
0x2c: {  	_ =	swait.ge [sflag:s26], $0x4000  }
0x2d: {  	[sflag:s26] =	ssyncset.done $0x0  }
0x2e: {  	s17 =	rddreg [dreg:$0x8];
	[sflag:s26] =	ssyncadd.s32 $0xFFFFC000  }
0x2f: {  	[spmem:s17] =	stream.linear.scatter [tilespmem:s25], [sflag:$0x5], $0x4000, $0x38;
	[tilespmem:$0x1E000] =	vst v63  }
0x30: {  	_ =	swait.ge [sflag:s26], $0x4000  }
0x31: {  	[sflag:s26] =	ssyncset.done $0x0  }
0x32: {  	s18 =	rddreg [dreg:$0x9];
	[sflag:s26] =	ssyncadd.s32 $0xFFFFC000  }
0x33: {  	[spmem:s18] =	stream.linear.scatter [tilespmem:s25], [sflag:$0x5], $0x3800, $0x38;
	[tilespmem:$0x1E000] =	vst v63  }
0x34: {  	_ =	swait.ge [sflag:s26], $0x3800  }
0x35: {  	[sflag:s26] =	ssyncset.done $0x0  }
0x36: {  	s10 =	simm.s32 @!p0 $0x2780;
	[sflag:s26] =	ssyncadd.s32 $0xFFFFC800  }
0x37: {  	[spmem:s12] =	stream.linear.scatter @!p0 [tilespmem:s10], [sflag:$0x5], $0x800, $0x38;
	[tilespmem:$0x1E000] =	vst v63  }
0x38: {  	s10 =	simm.s32 @!p0 $0x5  }
0x39: {  	_ =	swait.ge @!p0 [sflag:s10], $0x800  }
0x3a: {  	[sflag:s10] =	ssyncset.done @!p0 $0x0  }
0x3b: {  	s24 =	rddreg [dreg:$0xa];
	[sflag:s10] =	ssyncadd.s32 @!p0 $0xFFFFF800  }
0x3c: {  	[tilespmem:s13], [sflag:$0x5] =	stream.linear.gather [hbm4b:s24+s13], $0x2700, $0x38;
	[tilespmem:$0x1E000] =	vst v63  }
0x3d: {  	_ =	swait.ge [sflag:s26], $0x2700  }
0x3e: {  	s10 =	simm.s32 @!p1 $0x0;
	[sflag:s26] =	ssyncset.done $0x0  }
0x3f: {  	s13 =	simm.s32 @!p1 $0x2700;
	s17 =	rddreg [dreg:$0xb];
	[sflag:s26] =	ssyncadd.s32 $0xFFFFD900  }
0x40: {  	[tilespmem:s13], [sflag:$0x5] =	stream.linear.gather @!p1 [hbm4b:s17+s10], $0x80, $0x38;
	[tilespmem:$0x1E000] =	vst v63  }
0x41: {  	s10 =	simm.s32 @!p1 $0x5  }
0x42: {  	_ =	swait.ge @!p1 [sflag:s10], $0x80  }
0x43: {  	[sflag:s10] =	ssyncset.done @!p1 $0x0  }
0x44: {  	[sflag:s10] =	ssyncadd.s32 @!p1 $0xFFFFFF80  }
0x45: {  	[tilespmem:s25], [sflag:$0x1] =	stream.strided.gather [hbm4b:s15+s28], $0x2000, s29, s28, $0x38;
	[tilespmem:$0x1E000] =	vst v63  }
0x46: {  	_ = 	snop  }
0x47: {  	[tilespmem:s30], [sflag:$0x3] =	stream.strided.gather [hbm4b:s16+s28], $0x2000, s29, s28, $0x38;
	[tilespmem:$0x1E000] =	vst v63  }
0x48: {  	[bflag:$0x0] =	sbarrier.arrive $0xFFFF  }
0x49: {  	_ =	swait.ge [sflag:s31], $0x2000  }
0x4a: {  	[sflag:s31] =	ssyncset.done $0x0  }
0x4b: {  	[sflag:s31] =	ssyncadd.s32 $0xFFFFE000  }
0x4c: {  	_ =	swait.ge [sflag:s0], $0x2000  }
0x4d: {  	[sflag:s0] =	ssyncset.done $0x0  }
0x4e: {  	s13 =	sadd.s32 $0xFFFFF800, s11;
	[sflag:s0] =	ssyncadd.s32 $0xFFFFE000  }
0x4f: {  	[tilespmem:s2], [sflag:$0x2] =	stream.strided.gather [hbm4b:s13+s28], $0x2000, s29, s28, $0x38;
	[tilespmem:$0x1E000] =	vst v63  }
0x50: {  	_ = 	snop  }
0x51: {  	[tilespmem:s5], [sflag:$0x4] =	stream.strided.gather [hbm4b:s11+s28], $0x2000, s29, s28, $0x38;
	[tilespmem:$0x1E000] =	vst v63  }
0x52: {  	s17 =	simm.s32 $0x0  }
0x53: {  	[spmem:s3] =	stream.indirect.scatter.add.f32 [tilespmem:s25], [sflag:$0x5], $0x80, s17, s4, $0xb8;
	[tilespmem:$0x1E000] =	vst v63  }
0x54: {  	_ =	swait.ge [sflag:s26], $0x4000  }
0x55: {  	[sflag:s26] =	ssyncset.done $0x0  }
0x56: {  	[sflag:s26] =	ssyncadd.s32 $0xFFFFC000  }
0x57: {  	_ =	swait.ge [sflag:s7], $0x2000  }
0x58: {  	[sflag:s7] =	ssyncset.done $0x0  }
0x59: {  	[sflag:s7] =	ssyncadd.s32 $0xFFFFE000  }
0x5a: {  	s18 =	sadd.s32 $0x10000, s19;
	_ =	swait.ge [sflag:s8], $0x2000  }
0x5b: {  	s10 =	sshrl.u32 s18, $0x3;
	[sflag:s8] =	ssyncset.done $0x0  }
0x5c: {  	s24 =	sadd.s32 s1, s10;
	[sflag:s8] =	ssyncadd.s32 $0xFFFFE000  }
0x5d: {  	[tilespmem:s25], [sflag:$0x1] =	stream.strided.gather [hbm4b:s24+s28], $0x2000, s29, s28, $0x38;
	[tilespmem:$0x1E000] =	vst v63  }
0x5e: {  	s10 =	sadd.s32 s10, s14  }
0x5f: {  	[tilespmem:s30], [sflag:$0x3] =	stream.strided.gather [hbm4b:s10+s28], $0x2000, s29, s28, $0x38;
	[tilespmem:$0x1E000] =	vst v63  }
0x60: {  	_ = 	snop  }
0x61: {  	[spmem:s3] =	stream.indirect.scatter.add.f32 [tilespmem:s2], [sflag:$0x5], $0x80, s4, s4, $0xb8;
	[tilespmem:$0x1E000] =	vst v63  }
0x62: {  	s13 =	simm.s32 $0x80;
	_ =	swait.ge [sflag:s26], $0x4000  }
0x63: {  	s24 =	smov.u32 s11;
	s10 =	simm.s32 $0x20000;
	[sflag:s26] =	ssyncset.done $0x0  }
.LBB2_2:
0x64: {  	[sflag:s26] =	ssyncadd.s32 $0xFFFFC000;
	s13 =	sadd.s32 $0x100, s13;
	s24 =	sadd.s32 $0x2000, s24  }
0x65: {  	p2 =	sne.s32 s10, $0x260000;
	s17 =	smov.u32 s10;
	s10 =	sadd.s32 $0x10000, s10  }
0x66: {  	_ =	swait.ge [sflag:s31], $0x2000  }
0x67: {  	[sflag:s31] =	ssyncset.done $0x0  }
0x68: {  	[sflag:s31] =	ssyncadd.s32 $0xFFFFE000  }
0x69: {  	_ =	swait.ge [sflag:s0], $0x2000  }
0x6a: {  	[sflag:s0] =	ssyncset.done $0x0  }
0x6b: {  	s18 =	sadd.s32 $0xFFFFF800, s24;
	[sflag:s0] =	ssyncadd.s32 $0xFFFFE000  }
0x6c: {  	[tilespmem:s2], [sflag:$0x2] =	stream.strided.gather [hbm4b:s18+s28], $0x2000, s29, s28, $0x38;
	[tilespmem:$0x1E000] =	vst v63  }
0x6d: {  	_ = 	snop  }
0x6e: {  	[tilespmem:s5], [sflag:$0x4] =	stream.strided.gather [hbm4b:s24+s28], $0x2000, s29, s28, $0x38;
	[tilespmem:$0x1E000] =	vst v63  }
0x6f: {  	s18 =	sadd.s32 $0xFFFFFF80, s13  }
0x70: {  	[spmem:s3] =	stream.indirect.scatter.add.f32 [tilespmem:s25], [sflag:$0x5], $0x80, s18, s4, $0xb8;
	[tilespmem:$0x1E000] =	vst v63  }
0x71: {  	_ =	swait.ge [sflag:s26], $0x4000  }
0x72: {  	[sflag:s26] =	ssyncset.done $0x0  }
0x73: {  	[sflag:s26] =	ssyncadd.s32 $0xFFFFC000  }
0x74: {  	_ =	swait.ge [sflag:s7], $0x2000  }
0x75: {  	[sflag:s7] =	ssyncset.done $0x0  }
0x76: {  	[sflag:s7] =	ssyncadd.s32 $0xFFFFE000  }
0x77: {  	s17 =	sadd.s32 s17, s19;
	_ =	swait.ge [sflag:s8], $0x2000  }
0x78: {  	s17 =	sshrl.u32 s17, $0x3;
	[sflag:s8] =	ssyncset.done $0x0  }
0x79: {  	s18 =	sadd.s32 s1, s17;
	[sflag:s8] =	ssyncadd.s32 $0xFFFFE000  }
0x7a: {  	[tilespmem:s25], [sflag:$0x1] =	stream.strided.gather [hbm4b:s18+s28], $0x2000, s29, s28, $0x38;
	[tilespmem:$0x1E000] =	vst v63  }
0x7b: {  	s17 =	sadd.s32 s17, s14  }
0x7c: {  	[tilespmem:s30], [sflag:$0x3] =	stream.strided.gather [hbm4b:s17+s28], $0x2000, s29, s28, $0x38;
	[tilespmem:$0x1E000] =	vst v63  }
.Ltmp0:
0x7d: {  	_ = 	snop;
	(pc) =	sbr.rel @p2 .LBB2_2-.Ltmp0, $4  }
0x7e: {  	_ = 	snop  }
0x7f: {  	[spmem:s3] =	stream.indirect.scatter.add.f32 [tilespmem:s2], [sflag:$0x5], $0x80, s13, s4, $0xb8;
	[tilespmem:$0x1E000] =	vst v63  }
0x80: {  	_ =	swait.ge [sflag:s26], $0x4000  }
0x81: {  	[sflag:s26] =	ssyncset.done $0x0  }
0x82: {  	[sflag:s26] =	ssyncadd.s32 $0xFFFFC000  }
0x83: {  	_ =	swait.ge [sflag:s31], $0x2000  }
0x84: {  	[sflag:s31] =	ssyncset.done $0x0  }
0x85: {  	[sflag:s31] =	ssyncadd.s32 $0xFFFFE000  }
0x86: {  	_ =	swait.ge [sflag:s0], $0x2000  }
0x87: {  	[sflag:s0] =	ssyncset.done $0x0  }
0x88: {  	[sflag:s0] =	ssyncadd.s32 $0xFFFFE000  }
0x89: {  	[tilespmem:s2], [sflag:$0x2] =	stream.strided.gather [hbm4b:s22+s28], $0x2000, s29, s28, $0x38;
	[tilespmem:$0x1E000] =	vst v63  }
0x8a: {  	_ = 	snop  }
0x8b: {  	[tilespmem:s5], [sflag:$0x4] =	stream.strided.gather [hbm4b:s23+s28], $0x2000, s29, s28, $0x38;
	[tilespmem:$0x1E000] =	vst v63  }
0x8c: {  	s10 =	simm.s32 $0x2600  }
0x8d: {  	[spmem:s3] =	stream.indirect.scatter.add.f32 [tilespmem:s25], [sflag:$0x5], $0x80, s10, s4, $0xb8;
	[tilespmem:$0x1E000] =	vst v63  }
0x8e: {  	_ =	swait.ge [sflag:s26], $0x4000  }
0x8f: {  	[sflag:s26] =	ssyncset.done $0x0  }
0x90: {  	[sflag:s26] =	ssyncadd.s32 $0xFFFFC000  }
0x91: {  	_ =	swait.ge [sflag:s7], $0x2000  }
0x92: {  	[sflag:s7] =	ssyncset.done $0x0  }
0x93: {  	[sflag:s7] =	ssyncadd.s32 $0xFFFFE000  }
0x94: {  	_ =	swait.ge [sflag:s8], $0x2000  }
0x95: {  	[sflag:s8] =	ssyncset.done $0x0  }
0x96: {  	[sflag:s8] =	ssyncadd.s32 $0xFFFFE000  }
0x97: {  	[tilespmem:s25], [sflag:$0x1] =	stream.strided.gather [hbm4b:s15+s28], $0x2000, s29, s28, $0x38;
	[tilespmem:$0x1E000] =	vst v63  }
0x98: {  	_ = 	snop  }
0x99: {  	[tilespmem:s30], [sflag:$0x3] =	stream.strided.gather [hbm4b:s16+s28], $0x2000, s29, s28, $0x38;
	[tilespmem:$0x1E000] =	vst v63  }
0x9a: {  	s18 =	simm.s32 $0x2680  }
0x9b: {  	[spmem:s3] =	stream.indirect.scatter.add.f32 [tilespmem:s2], [sflag:$0x5], $0x80, s18, s4, $0xb8;
	[tilespmem:$0x1E000] =	vst v63  }
0x9c: {  	_ =	swait.ge [sflag:s26], $0x4000  }
0x9d: {  	[sflag:s26] =	ssyncset.done $0x0  }
0x9e: {  	[sflag:s26] =	ssyncadd.s32 $0xFFFFC000  }
0x9f: {  	_ =	swait.ge [sflag:s31], $0x2000  }
0xa0: {  	[sflag:s31] =	ssyncset.done $0x0  }
0xa1: {  	[sflag:s31] =	ssyncadd.s32 $0xFFFFE000  }
0xa2: {  	_ =	swait.ge [sflag:s0], $0x2000  }
0xa3: {  	s13 =	simm.s32 @!p1 $0x800;
	s17 =	simm.s32 @!p1 $0x2780;
	[sflag:s0] =	ssyncset.done $0x0  }
0xa4: {  	s10 =	simm.s32 @!p1 $0x400;
	s18 =	rddreg [dreg:$0xc];
	[sflag:s0] =	ssyncadd.s32 $0xFFFFE000  }
0xa5: {  	[tilespmem:s17], [sflag:$0x5] =	stream.strided.gather @!p1 [hbm4b:s18+s10], $0x4000, s13, s10, $0x38;
	[tilespmem:$0x1E000] =	vst v63  }
0xa6: {  	s10 =	simm.s32 @!p1 $0x5  }
0xa7: {  	_ =	swait.ge @!p1 [sflag:s10], $0x4000  }
0xa8: {  	[sflag:s10] =	ssyncset.done @!p1 $0x0  }
0xa9: {  	s13 =	simm.s32 @!p1 $0x80;
	s18 =	simm.s32 @!p1 $0x2700;
	[sflag:s10] =	ssyncadd.s32 @!p1 $0xFFFFC000  }
0xaa: {  	[spmem:s3] =	stream.indirect.scatter.add.f32 @!p1 [tilespmem:s17], [sflag:$0x5], $0x80, s18, s13, $0xb8;
	[tilespmem:$0x1E000] =	vst v63  }
0xab: {  	_ =	swait.ge @!p1 [sflag:s10], $0x4000  }
0xac: {  	s24 =	stileid.u32;
	[sflag:s10] =	ssyncset.done @!p1 $0x0  }
0xad: {  	s9 =	sadd.s32 $0x1, s9;
	s13 =	sshrl.u32 s6, $0x3;
	[sflag:s10] =	ssyncadd.s32 @!p1 $0xFFFFC000  }
0xae: {  	s18 =	simm.s32 $0x8;
	s10 =	sshll.u32 s24, $0x6;
	[bflag:$0x0] =	sbarrier.arrive $0xFFFF  }
0xaf: {  	s24 =	simm.s32 $0x100;
	s10 =	sor.u32 $0x1C05, s10;
	s17 =	rddreg [dreg:$0xd]  }
0xb0: {  	[hbm:s17@s24], [sflag:s10] =	dma.strided [spmem:s13@s4], $0x2700, s18, $0x10   }
0xb1: {  	p2 =	sne.s32 s9, s21;
	_ =	swait.ge [sflag:s26], $0x2700  }
0xb2: {  	s13 =	sshrl.u32 @!p0 s12, $0x3;
	s17 =	simm.s32 @!p0 $0x8;
	[sflag:s26] =	ssyncset.done $0x0  }
0xb3: {  	s18 =	simm.s32 @!p0 $0x100;
	s24 =	simm.s32 @!p0 $0x80;
	[sflag:s26] =	ssyncadd.s32 $0xFFFFD900  }
0xb4: {  	[hbm:s20@s18], [sflag:s10] =	dma.strided @!p0 [spmem:s13@s24], $0x100, s17, $0x10   }
.Ltmp1:
0xb5: {  	_ = 	snop;
	(pc) =	sbr.rel @p2 .LBB2_1-.Ltmp1, $4  }
0xb6: {  	s10 =	simm.s32 @!p0 $0x5  }
0xb7: {  	_ =	swait.ge @!p0 [sflag:s10], $0x100  }
0xb8: {  	[sflag:s10] =	ssyncset.done @!p0 $0x0  }
0xb9: {  	[sflag:s10] =	ssyncadd.s32 @!p0 $0xFFFFFF00  }
0xba: {  	_ =	sfence.sel $0x180000  }
0xbb: {  	[bflag:$0x0] =	sbarrier.arrive $0xFFFF  }
0xbc: {  	_ =	strace $0x90000047  }
0xbd: {  	[bflag:$0x2] =	sbarrier.arrive $0xFFFF  }
0xbe: {  	s0 =	rddreg [dreg:$0x5]  }
0xbf: {  	s0 =	sadd.s32 @!p0 $0x100000, s0  }
0xc0: {  	[sflag:s0] =	ssyncadd.tile.s32 @!p0 $0x1;
	_ =	shalt  }
.Lfunc_end2:
_tile_overlayer_lowered:
.L_overlay_start_2:
0xc1: {  	(tag) =	ssettag $0x2  }
0xc2: {  	s0 =	rddreg [dreg:$0x0];
	s2 =	stileid.u32  }
0xc3: {  	s1 =	rddreg [dreg:$0x1];
	p0 =	sne.s32 s2, $0x0  }
0xc4: {  	s3 =	rddreg [dreg:$0x2];
	[bflag:$0x3] =	sbarrier.arrive $0xFFFF;
	s2 =	simm.s32 @!p0 $0x1C05  }
0xc5: {  	[timem:s3], [sflag:s2] =	dma.local @!p0 [hbm:s0], s1  }
0xc6: {  	s0 =	simm.s32 @!p0 $0x5  }
0xc7: {  	_ =	swait.ge @!p0 [sflag:s0], s1  }
0xc8: {  	s1 =	ssub.s32 @!p0 $0x0, s1;
	[sflag:s0] =	ssyncset.done @!p0 $0x0  }
0xc9: {  	[sflag:s0] =	ssyncadd.s32 @!p0 s1  }
0xca: {  	[bflag:$0x3] =	sbarrier.arrive $0xFFFF  }
0xcb: {  	_ =	shalt  }

</sc_bundles>
